<compile_context>
chip_gen: v7x
topology: tpu7x:2x2x1
jax: 0.10.2.dev20260603
libtpu: 0.0.44.dev20260713+nightly
codegen_flags: <defaults>
</compile_context>

<pallas_src>
import functools

import jax
import jax.numpy as jnp
from jax import lax
from jax.experimental import pallas as pl
from jax.experimental.pallas import tpu as pltpu
from jax.experimental.pallas import tpu_sc as plsc

_T, _H, _E = 16384, 2048, 16
_BT = 1024
_NC, _NS, _L = 2, 16, 16
_NW = _NC * _NS
_ROWS = _T // _NW
_GROUPS = _ROWS // _L


def _gate_body(x_ref, w_ref, out_ref):
    logits = lax.dot_general(
        x_ref[...], w_ref[...], (((1,), (1,)), ((), ())),
        preferred_element_type=jnp.float32)
    out_ref[...] = jnp.clip(logits, -50.0, 50.0)


def _gate_logits(x, w):
    return pl.pallas_call(
        _gate_body,
        grid=(_T // _BT,),
        in_specs=[
            pl.BlockSpec((_BT, _H), lambda i: (i, 0)),
            pl.BlockSpec((_E, _H), lambda i: (0, 0)),
        ],
        out_specs=pl.BlockSpec((_BT, _E), lambda i: (i, 0)),
        out_shape=jax.ShapeDtypeStruct((_T, _E), jnp.float32),
        compiler_params=pltpu.CompilerParams(
            dimension_semantics=("parallel",)),
    )(x, w)


@functools.partial(
    pl.kernel,
    mesh=plsc.VectorSubcoreMesh(core_axis_name="c", subcore_axis_name="s"),
    out_type=[
        jax.ShapeDtypeStruct((_T,), jnp.float32),
        jax.ShapeDtypeStruct((_T,), jnp.float32),
        jax.ShapeDtypeStruct((_T,), jnp.int32),
        jax.ShapeDtypeStruct((_T,), jnp.int32),
    ],
    scratch_types=[
        pltpu.VMEM((_ROWS, _E), jnp.float32),
        pltpu.VMEM((_ROWS,), jnp.float32),
        pltpu.VMEM((_ROWS,), jnp.float32),
        pltpu.VMEM((_ROWS,), jnp.int32),
        pltpu.VMEM((_ROWS,), jnp.int32),
        pltpu.SemaphoreType.DMA,
    ],
    compiler_params=pltpu.CompilerParams(needs_layout_passes=False),
)
def _route(lg_hbm, w1_hbm, w2_hbm, i1_hbm, i2_hbm,
           lg_v, w1_v, w2_v, i1_v, i2_v, sem):
    wid = lax.axis_index("s") * _NC + lax.axis_index("c")
    base = wid * _ROWS
    pltpu.async_copy(
        lg_hbm.at[pl.ds(base, _ROWS), :], lg_v, sem).wait()

    lanes = lax.iota(jnp.int32, _L)
    zeros = jnp.zeros((_L,), jnp.int32)
    ones = jnp.full((_L,), 1, jnp.int32)

    def group(g, carry):
        t = g * _L
        rows = lanes + t
        m1 = plsc.load_gather(lg_v, [rows, zeros])
        i1 = zeros
        m2 = jnp.full((_L,), -jnp.inf, jnp.float32)
        i2 = zeros
        for e in range(1, _E):
            e_vec = jnp.full((_L,), e, jnp.int32)
            col = plsc.load_gather(lg_v, [rows, e_vec])
            gt1 = col > m1
            gt2 = col > m2
            m2 = jnp.where(gt1, m1, jnp.where(gt2, col, m2))
            i2 = jnp.where(gt1, i1, jnp.where(gt2, e_vec, i2))
            m1 = jnp.where(gt1, col, m1)
            i1 = jnp.where(gt1, e_vec, i1)
        e2 = jnp.exp(m2 - m1)
        denom = 1.0 + e2
        w1_v[pl.ds(t, _L)] = 1.0 / denom
        w2_v[pl.ds(t, _L)] = e2 / denom
        i1_v[pl.ds(t, _L)] = i1
        i2_v[pl.ds(t, _L)] = i2
        return carry

    lax.fori_loop(0, _GROUPS, group, 0)
    pltpu.sync_copy(w1_v, w1_hbm.at[pl.ds(base, _ROWS)])
    pltpu.sync_copy(w2_v, w2_hbm.at[pl.ds(base, _ROWS)])
    pltpu.sync_copy(i1_v, i1_hbm.at[pl.ds(base, _ROWS)])
    pltpu.sync_copy(i2_v, i2_hbm.at[pl.ds(base, _ROWS)])


def kernel(hidden_states, gate_w):
    router_logits = _gate_logits(hidden_states, gate_w)
    w1, w2, i1, i2 = _route(router_logits)
    router_weights = jnp.stack([w1, w2], axis=-1)
    top_indices = jnp.stack([i1, i2], axis=-1)
    return (router_logits, router_weights, top_indices)

# --- scband reference (transcript-rebuilt; emitter-appended) ---
"""Pipeline reference for scband-srderouter-19232863552288 (READ-ONLY COPY).

The authoritative reference and input builder live on the scoring server;
editing this copy changes nothing except your own understanding.
"""

import jax, jax.numpy as jnp
import numpy as np

T = 16384  # 4 * 4096 tokens
H = 2048
E = 16
TOPK = 2


def setup_inputs(seed: int = 0) -> dict:
    key = jax.random.key(seed)
    k1, k2 = jax.random.split(key)
    hidden_states = jax.random.normal(k1, (T, H), dtype=jnp.float32)
    # gate: nn.Linear(hidden_size, num_experts, bias=False), init normal(0, 0.01)
    gate_w = jax.random.normal(k2, (E, H), dtype=jnp.float32) * 0.01
    return {"hidden_states": hidden_states, "gate_w": gate_w}


def reference(hidden_states, gate_w):
    # router_logits = self.gate(hidden_states)
    router_logits = hidden_states @ gate_w.T
    # check_tensor_health: replace NaN with 0, clamp Inf to +/-1e6
    router_logits = jnp.nan_to_num(router_logits, nan=0.0)
    router_logits = jnp.clip(router_logits, -1000000.0, 1000000.0)
    # clamp to [-50, 50]
    router_logits = jnp.clip(router_logits, -50.0, 50.0)
    effective_k = min(TOPK, E)
    top_weights, top_indices = jax.lax.top_k(router_logits, effective_k)
    router_weights = jax.nn.softmax(top_weights, axis=-1)
    router_weights = jnp.nan_to_num(router_weights, nan=0.0)
    return (router_logits, router_weights, top_indices)

if __name__ == "__main__":
    import jax
    _d = setup_inputs()
    print(jax.jit(kernel)(*tuple(_d.values())))

</pallas_src>

<mosaic_0001>
#map = affine_map<(d0, d1) -> (0, 0)>
#map1 = affine_map<(d0, d1) -> (0)>
module attributes {stable_mosaic.version = 14 : i64} {
  func.func @_route(%arg0: i32, %arg1: i32, %arg2: memref<16384x16xf32, #tpu.memory_space<hbm>>, %arg3: memref<16384xf32, #tpu.memory_space<hbm>>, %arg4: memref<16384xf32, #tpu.memory_space<hbm>>, %arg5: memref<16384xi32, #tpu.memory_space<hbm>>, %arg6: memref<16384xi32, #tpu.memory_space<hbm>>, %arg7: memref<512x16xf32, #tpu.memory_space<vmem>>, %arg8: memref<512xf32, #tpu.memory_space<vmem>>, %arg9: memref<512xf32, #tpu.memory_space<vmem>>, %arg10: memref<512xi32, #tpu.memory_space<vmem>>, %arg11: memref<512xi32, #tpu.memory_space<vmem>>, %arg12: memref<!tpu.dma_semaphore, #tpu.memory_space<semaphore_mem>>) attributes {dimension_semantics = [#tpu.dimension_semantics<core_parallel>, #tpu.dimension_semantics<subcore_parallel>], iteration_bounds = array<i64: 2, 16>, scalar_prefetch = 0 : i64, scratch_operands = 6 : i64, tpu.core_type = #tpu.core_type<sc_vector_subcore>, window_params = [{transform_indices = #map}, {transform_indices = #map1}, {transform_indices = #map1}, {transform_indices = #map1}, {transform_indices = #map1}]} {
    %mul3A = arith.constant 2 : i32
    %mul3A_0 = arith.muli %arg1, %mul3A : i32
    %add3A = arith.addi %mul3A_0, %arg0 : i32
    %mul3A_1 = arith.constant 512 : i32
    %mul3A_2 = arith.muli %add3A, %mul3A_1 : i32
    %dma_start3A = arith.constant 0 : i32
    %dma_start3A_3 = tpu.memref_slice %arg2[%mul3A_2, %dma_start3A] : memref<16384x16xf32, #tpu.memory_space<hbm>> -> memref<512x16xf32, #tpu.memory_space<hbm>>
    %dma_start3A_4 = arith.constant 0 : i32
    %dma_start3A_5 = tpu.memref_slice %arg2[%mul3A_2, %dma_start3A_4] : memref<16384x16xf32, #tpu.memory_space<hbm>> -> memref<512x16xf32, #tpu.memory_space<hbm>>
    tpu.enqueue_dma source(%dma_start3A_5 : memref<512x16xf32, #tpu.memory_space<hbm>>) target(%arg7 : memref<512x16xf32, #tpu.memory_space<vmem>>) target_semaphore(%arg12 : memref<!tpu.dma_semaphore, #tpu.memory_space<semaphore_mem>>)
    %dma_wait3A = arith.constant 0 : i32
    %dma_wait3A_6 = tpu.memref_slice %arg2[%mul3A_2, %dma_wait3A] : memref<16384x16xf32, #tpu.memory_space<hbm>> -> memref<512x16xf32, #tpu.memory_space<hbm>>
    %dma_wait3A_7 = arith.constant 0 : i32
    %dma_wait3A_8 = tpu.memref_slice %arg2[%mul3A_2, %dma_wait3A_7] : memref<16384x16xf32, #tpu.memory_space<hbm>> -> memref<512x16xf32, #tpu.memory_space<hbm>>
    tpu.wait_dma2 semaphore(%arg12 : memref<!tpu.dma_semaphore, #tpu.memory_space<semaphore_mem>>) src(%dma_wait3A_8 : memref<512x16xf32, #tpu.memory_space<hbm>>) dst(%arg7 : memref<512x16xf32, #tpu.memory_space<vmem>>)
    %iota3A = tpu.iota {dimensions = array<i32: 0>} : vector<16xi32>
    %broadcast_in_dim3A = arith.constant 0 : i32
    %broadcast_in_dim3A_9 = vector.broadcast %broadcast_in_dim3A : i32 to vector<16xi32>
    %broadcast_in_dim3A_10 = arith.constant 1 : i32
    %broadcast_in_dim3A_11 = vector.broadcast %broadcast_in_dim3A_10 : i32 to vector<16xi32>
    %scan3A = arith.constant 0 : i32
    %scan3A_12 = arith.constant 0 : i32
    %scan3A_13 = arith.constant 32 : i32
    %scan3A_14 = arith.addi %scan3A_12, %scan3A_13 : i32
    %scan3A_15 = arith.constant 1 : i32
    scf.for %scan3A_17 = %scan3A_12 to %scan3A_14 step %scan3A_15  : i32 {
      %mul3A_18 = arith.constant 16 : i32
      %mul3A_19 = arith.muli %scan3A_17, %mul3A_18 : i32
      %add3A_20 = vector.broadcast %mul3A_19 : i32 to vector<16xi32>
      %add3A_21 = arith.addi %iota3A, %add3A_20 : vector<16xi32>
      %gather3A = tpu.vector_load_idx %arg7[%add3A_21, %broadcast_in_dim3A_9] : memref<512x16xf32, #tpu.memory_space<vmem>>[vector<16xi32>, vector<16xi32>], vector<16xf32>,
      %broadcast_in_dim3A_22 = arith.constant 0xFF800000 : f32
      %broadcast_in_dim3A_23 = vector.broadcast %broadcast_in_dim3A_22 : f32 to vector<16xf32>
      %broadcast_in_dim3A_24 = arith.constant 1 : i32
      %broadcast_in_dim3A_25 = vector.broadcast %broadcast_in_dim3A_24 : i32 to vector<16xi32>
      %gather3A_26 = tpu.vector_load_idx %arg7[%add3A_21, %broadcast_in_dim3A_25] : memref<512x16xf32, #tpu.memory_space<vmem>>[vector<16xi32>, vector<16xi32>], vector<16xf32>,
      %gt3A = arith.cmpf ogt, %gather3A_26, %gather3A : vector<16xf32>
      %gt3A_27 = arith.cmpf ogt, %gather3A_26, %broadcast_in_dim3A_23 : vector<16xf32>
      %select_n3A = arith.select %gt3A_27, %gather3A_26, %broadcast_in_dim3A_23 : vector<16xi1>, vector<16xf32>
      %select_n3A_28 = arith.select %gt3A, %gather3A, %select_n3A : vector<16xi1>, vector<16xf32>
      %select_n3A_29 = arith.select %gt3A_27, %broadcast_in_dim3A_25, %broadcast_in_dim3A_9 : vector<16xi1>, vector<16xi32>
      %select_n3A_30 = arith.select %gt3A, %broadcast_in_dim3A_9, %select_n3A_29 : vector<16xi1>, vector<16xi32>
      %select_n3A_31 = arith.select %gt3A, %gather3A_26, %gather3A : vector<16xi1>, vector<16xf32>
      %select_n3A_32 = arith.select %gt3A, %broadcast_in_dim3A_25, %broadcast_in_dim3A_9 : vector<16xi1>, vector<16xi32>
      %broadcast_in_dim3A_33 = arith.constant 2 : i32
      %broadcast_in_dim3A_34 = vector.broadcast %broadcast_in_dim3A_33 : i32 to vector<16xi32>
      %gather3A_35 = tpu.vector_load_idx %arg7[%add3A_21, %broadcast_in_dim3A_34] : memref<512x16xf32, #tpu.memory_space<vmem>>[vector<16xi32>, vector<16xi32>], vector<16xf32>,
      %gt3A_36 = arith.cmpf ogt, %gather3A_35, %select_n3A_31 : vector<16xf32>
      %gt3A_37 = arith.cmpf ogt, %gather3A_35, %select_n3A_28 : vector<16xf32>
      %select_n3A_38 = arith.select %gt3A_37, %gather3A_35, %select_n3A_28 : vector<16xi1>, vector<16xf32>
      %select_n3A_39 = arith.select %gt3A_36, %select_n3A_31, %select_n3A_38 : vector<16xi1>, vector<16xf32>
      %select_n3A_40 = arith.select %gt3A_37, %broadcast_in_dim3A_34, %select_n3A_30 : vector<16xi1>, vector<16xi32>
      %select_n3A_41 = arith.select %gt3A_36, %select_n3A_32, %select_n3A_40 : vector<16xi1>, vector<16xi32>
      %select_n3A_42 = arith.select %gt3A_36, %gather3A_35, %select_n3A_31 : vector<16xi1>, vector<16xf32>
      %select_n3A_43 = arith.select %gt3A_36, %broadcast_in_dim3A_34, %select_n3A_32 : vector<16xi1>, vector<16xi32>
      %broadcast_in_dim3A_44 = arith.constant 3 : i32
      %broadcast_in_dim3A_45 = vector.broadcast %broadcast_in_dim3A_44 : i32 to vector<16xi32>
      %gather3A_46 = tpu.vector_load_idx %arg7[%add3A_21, %broadcast_in_dim3A_45] : memref<512x16xf32, #tpu.memory_space<vmem>>[vector<16xi32>, vector<16xi32>], vector<16xf32>,
      %gt3A_47 = arith.cmpf ogt, %gather3A_46, %select_n3A_42 : vector<16xf32>
      %gt3A_48 = arith.cmpf ogt, %gather3A_46, %select_n3A_39 : vector<16xf32>
      %select_n3A_49 = arith.select %gt3A_48, %gather3A_46, %select_n3A_39 : vector<16xi1>, vector<16xf32>
      %select_n3A_50 = arith.select %gt3A_47, %select_n3A_42, %select_n3A_49 : vector<16xi1>, vector<16xf32>
      %select_n3A_51 = arith.select %gt3A_48, %broadcast_in_dim3A_45, %select_n3A_41 : vector<16xi1>, vector<16xi32>
      %select_n3A_52 = arith.select %gt3A_47, %select_n3A_43, %select_n3A_51 : vector<16xi1>, vector<16xi32>
      %select_n3A_53 = arith.select %gt3A_47, %gather3A_46, %select_n3A_42 : vector<16xi1>, vector<16xf32>
      %select_n3A_54 = arith.select %gt3A_47, %broadcast_in_dim3A_45, %select_n3A_43 : vector<16xi1>, vector<16xi32>
      %broadcast_in_dim3A_55 = arith.constant 4 : i32
      %broadcast_in_dim3A_56 = vector.broadcast %broadcast_in_dim3A_55 : i32 to vector<16xi32>
      %gather3A_57 = tpu.vector_load_idx %arg7[%add3A_21, %broadcast_in_dim3A_56] : memref<512x16xf32, #tpu.memory_space<vmem>>[vector<16xi32>, vector<16xi32>], vector<16xf32>,
      %gt3A_58 = arith.cmpf ogt, %gather3A_57, %select_n3A_53 : vector<16xf32>
      %gt3A_59 = arith.cmpf ogt, %gather3A_57, %select_n3A_50 : vector<16xf32>
      %select_n3A_60 = arith.select %gt3A_59, %gather3A_57, %select_n3A_50 : vector<16xi1>, vector<16xf32>
      %select_n3A_61 = arith.select %gt3A_58, %select_n3A_53, %select_n3A_60 : vector<16xi1>, vector<16xf32>
      %select_n3A_62 = arith.select %gt3A_59, %broadcast_in_dim3A_56, %select_n3A_52 : vector<16xi1>, vector<16xi32>
      %select_n3A_63 = arith.select %gt3A_58, %select_n3A_54, %select_n3A_62 : vector<16xi1>, vector<16xi32>
      %select_n3A_64 = arith.select %gt3A_58, %gather3A_57, %select_n3A_53 : vector<16xi1>, vector<16xf32>
      %select_n3A_65 = arith.select %gt3A_58, %broadcast_in_dim3A_56, %select_n3A_54 : vector<16xi1>, vector<16xi32>
      %broadcast_in_dim3A_66 = arith.constant 5 : i32
      %broadcast_in_dim3A_67 = vector.broadcast %broadcast_in_dim3A_66 : i32 to vector<16xi32>
      %gather3A_68 = tpu.vector_load_idx %arg7[%add3A_21, %broadcast_in_dim3A_67] : memref<512x16xf32, #tpu.memory_space<vmem>>[vector<16xi32>, vector<16xi32>], vector<16xf32>,
      %gt3A_69 = arith.cmpf ogt, %gather3A_68, %select_n3A_64 : vector<16xf32>
      %gt3A_70 = arith.cmpf ogt, %gather3A_68, %select_n3A_61 : vector<16xf32>
      %select_n3A_71 = arith.select %gt3A_70, %gather3A_68, %select_n3A_61 : vector<16xi1>, vector<16xf32>
      %select_n3A_72 = arith.select %gt3A_69, %select_n3A_64, %select_n3A_71 : vector<16xi1>, vector<16xf32>
      %select_n3A_73 = arith.select %gt3A_70, %broadcast_in_dim3A_67, %select_n3A_63 : vector<16xi1>, vector<16xi32>
      %select_n3A_74 = arith.select %gt3A_69, %select_n3A_65, %select_n3A_73 : vector<16xi1>, vector<16xi32>
      %select_n3A_75 = arith.select %gt3A_69, %gather3A_68, %select_n3A_64 : vector<16xi1>, vector<16xf32>
      %select_n3A_76 = arith.select %gt3A_69, %broadcast_in_dim3A_67, %select_n3A_65 : vector<16xi1>, vector<16xi32>
      %broadcast_in_dim3A_77 = arith.constant 6 : i32
      %broadcast_in_dim3A_78 = vector.broadcast %broadcast_in_dim3A_77 : i32 to vector<16xi32>
      %gather3A_79 = tpu.vector_load_idx %arg7[%add3A_21, %broadcast_in_dim3A_78] : memref<512x16xf32, #tpu.memory_space<vmem>>[vector<16xi32>, vector<16xi32>], vector<16xf32>,
      %gt3A_80 = arith.cmpf ogt, %gather3A_79, %select_n3A_75 : vector<16xf32>
      %gt3A_81 = arith.cmpf ogt, %gather3A_79, %select_n3A_72 : vector<16xf32>
      %select_n3A_82 = arith.select %gt3A_81, %gather3A_79, %select_n3A_72 : vector<16xi1>, vector<16xf32>
      %select_n3A_83 = arith.select %gt3A_80, %select_n3A_75, %select_n3A_82 : vector<16xi1>, vector<16xf32>
      %select_n3A_84 = arith.select %gt3A_81, %broadcast_in_dim3A_78, %select_n3A_74 : vector<16xi1>, vector<16xi32>
      %select_n3A_85 = arith.select %gt3A_80, %select_n3A_76, %select_n3A_84 : vector<16xi1>, vector<16xi32>
      %select_n3A_86 = arith.select %gt3A_80, %gather3A_79, %select_n3A_75 : vector<16xi1>, vector<16xf32>
      %select_n3A_87 = arith.select %gt3A_80, %broadcast_in_dim3A_78, %select_n3A_76 : vector<16xi1>, vector<16xi32>
      %broadcast_in_dim3A_88 = arith.constant 7 : i32
      %broadcast_in_dim3A_89 = vector.broadcast %broadcast_in_dim3A_88 : i32 to vector<16xi32>
      %gather3A_90 = tpu.vector_load_idx %arg7[%add3A_21, %broadcast_in_dim3A_89] : memref<512x16xf32, #tpu.memory_space<vmem>>[vector<16xi32>, vector<16xi32>], vector<16xf32>,
      %gt3A_91 = arith.cmpf ogt, %gather3A_90, %select_n3A_86 : vector<16xf32>
      %gt3A_92 = arith.cmpf ogt, %gather3A_90, %select_n3A_83 : vector<16xf32>
      %select_n3A_93 = arith.select %gt3A_92, %gather3A_90, %select_n3A_83 : vector<16xi1>, vector<16xf32>
      %select_n3A_94 = arith.select %gt3A_91, %select_n3A_86, %select_n3A_93 : vector<16xi1>, vector<16xf32>
      %select_n3A_95 = arith.select %gt3A_92, %broadcast_in_dim3A_89, %select_n3A_85 : vector<16xi1>, vector<16xi32>
      %select_n3A_96 = arith.select %gt3A_91, %select_n3A_87, %select_n3A_95 : vector<16xi1>, vector<16xi32>
      %select_n3A_97 = arith.select %gt3A_91, %gather3A_90, %select_n3A_86 : vector<16xi1>, vector<16xf32>
      %select_n3A_98 = arith.select %gt3A_91, %broadcast_in_dim3A_89, %select_n3A_87 : vector<16xi1>, vector<16xi32>
      %broadcast_in_dim3A_99 = arith.constant 8 : i32
      %broadcast_in_dim3A_100 = vector.broadcast %broadcast_in_dim3A_99 : i32 to vector<16xi32>
      %gather3A_101 = tpu.vector_load_idx %arg7[%add3A_21, %broadcast_in_dim3A_100] : memref<512x16xf32, #tpu.memory_space<vmem>>[vector<16xi32>, vector<16xi32>], vector<16xf32>,
      %gt3A_102 = arith.cmpf ogt, %gather3A_101, %select_n3A_97 : vector<16xf32>
      %gt3A_103 = arith.cmpf ogt, %gather3A_101, %select_n3A_94 : vector<16xf32>
      %select_n3A_104 = arith.select %gt3A_103, %gather3A_101, %select_n3A_94 : vector<16xi1>, vector<16xf32>
      %select_n3A_105 = arith.select %gt3A_102, %select_n3A_97, %select_n3A_104 : vector<16xi1>, vector<16xf32>
      %select_n3A_106 = arith.select %gt3A_103, %broadcast_in_dim3A_100, %select_n3A_96 : vector<16xi1>, vector<16xi32>
      %select_n3A_107 = arith.select %gt3A_102, %select_n3A_98, %select_n3A_106 : vector<16xi1>, vector<16xi32>
      %select_n3A_108 = arith.select %gt3A_102, %gather3A_101, %select_n3A_97 : vector<16xi1>, vector<16xf32>
      %select_n3A_109 = arith.select %gt3A_102, %broadcast_in_dim3A_100, %select_n3A_98 : vector<16xi1>, vector<16xi32>
      %broadcast_in_dim3A_110 = arith.constant 9 : i32
      %broadcast_in_dim3A_111 = vector.broadcast %broadcast_in_dim3A_110 : i32 to vector<16xi32>
      %gather3A_112 = tpu.vector_load_idx %arg7[%add3A_21, %broadcast_in_dim3A_111] : memref<512x16xf32, #tpu.memory_space<vmem>>[vector<16xi32>, vector<16xi32>], vector<16xf32>,
      %gt3A_113 = arith.cmpf ogt, %gather3A_112, %select_n3A_108 : vector<16xf32>
      %gt3A_114 = arith.cmpf ogt, %gather3A_112, %select_n3A_105 : vector<16xf32>
      %select_n3A_115 = arith.select %gt3A_114, %gather3A_112, %select_n3A_105 : vector<16xi1>, vector<16xf32>
      %select_n3A_116 = arith.select %gt3A_113, %select_n3A_108, %select_n3A_115 : vector<16xi1>, vector<16xf32>
      %select_n3A_117 = arith.select %gt3A_114, %broadcast_in_dim3A_111, %select_n3A_107 : vector<16xi1>, vector<16xi32>
      %select_n3A_118 = arith.select %gt3A_113, %select_n3A_109, %select_n3A_117 : vector<16xi1>, vector<16xi32>
      %select_n3A_119 = arith.select %gt3A_113, %gather3A_112, %select_n3A_108 : vector<16xi1>, vector<16xf32>
      %select_n3A_120 = arith.select %gt3A_113, %broadcast_in_dim3A_111, %select_n3A_109 : vector<16xi1>, vector<16xi32>
      %broadcast_in_dim3A_121 = arith.constant 10 : i32
      %broadcast_in_dim3A_122 = vector.broadcast %broadcast_in_dim3A_121 : i32 to vector<16xi32>
      %gather3A_123 = tpu.vector_load_idx %arg7[%add3A_21, %broadcast_in_dim3A_122] : memref<512x16xf32, #tpu.memory_space<vmem>>[vector<16xi32>, vector<16xi32>], vector<16xf32>,
      %gt3A_124 = arith.cmpf ogt, %gather3A_123, %select_n3A_119 : vector<16xf32>
      %gt3A_125 = arith.cmpf ogt, %gather3A_123, %select_n3A_116 : vector<16xf32>
      %select_n3A_126 = arith.select %gt3A_125, %gather3A_123, %select_n3A_116 : vector<16xi1>, vector<16xf32>
      %select_n3A_127 = arith.select %gt3A_124, %select_n3A_119, %select_n3A_126 : vector<16xi1>, vector<16xf32>
      %select_n3A_128 = arith.select %gt3A_125, %broadcast_in_dim3A_122, %select_n3A_118 : vector<16xi1>, vector<16xi32>
      %select_n3A_129 = arith.select %gt3A_124, %select_n3A_120, %select_n3A_128 : vector<16xi1>, vector<16xi32>
      %select_n3A_130 = arith.select %gt3A_124, %gather3A_123, %select_n3A_119 : vector<16xi1>, vector<16xf32>
      %select_n3A_131 = arith.select %gt3A_124, %broadcast_in_dim3A_122, %select_n3A_120 : vector<16xi1>, vector<16xi32>
      %broadcast_in_dim3A_132 = arith.constant 11 : i32
      %broadcast_in_dim3A_133 = vector.broadcast %broadcast_in_dim3A_132 : i32 to vector<16xi32>
      %gather3A_134 = tpu.vector_load_idx %arg7[%add3A_21, %broadcast_in_dim3A_133] : memref<512x16xf32, #tpu.memory_space<vmem>>[vector<16xi32>, vector<16xi32>], vector<16xf32>,
      %gt3A_135 = arith.cmpf ogt, %gather3A_134, %select_n3A_130 : vector<16xf32>
      %gt3A_136 = arith.cmpf ogt, %gather3A_134, %select_n3A_127 : vector<16xf32>
      %select_n3A_137 = arith.select %gt3A_136, %gather3A_134, %select_n3A_127 : vector<16xi1>, vector<16xf32>
      %select_n3A_138 = arith.select %gt3A_135, %select_n3A_130, %select_n3A_137 : vector<16xi1>, vector<16xf32>
      %select_n3A_139 = arith.select %gt3A_136, %broadcast_in_dim3A_133, %select_n3A_129 : vector<16xi1>, vector<16xi32>
      %select_n3A_140 = arith.select %gt3A_135, %select_n3A_131, %select_n3A_139 : vector<16xi1>, vector<16xi32>
      %select_n3A_141 = arith.select %gt3A_135, %gather3A_134, %select_n3A_130 : vector<16xi1>, vector<16xf32>
      %select_n3A_142 = arith.select %gt3A_135, %broadcast_in_dim3A_133, %select_n3A_131 : vector<16xi1>, vector<16xi32>
      %broadcast_in_dim3A_143 = arith.constant 12 : i32
      %broadcast_in_dim3A_144 = vector.broadcast %broadcast_in_dim3A_143 : i32 to vector<16xi32>
      %gather3A_145 = tpu.vector_load_idx %arg7[%add3A_21, %broadcast_in_dim3A_144] : memref<512x16xf32, #tpu.memory_space<vmem>>[vector<16xi32>, vector<16xi32>], vector<16xf32>,
      %gt3A_146 = arith.cmpf ogt, %gather3A_145, %select_n3A_141 : vector<16xf32>
      %gt3A_147 = arith.cmpf ogt, %gather3A_145, %select_n3A_138 : vector<16xf32>
      %select_n3A_148 = arith.select %gt3A_147, %gather3A_145, %select_n3A_138 : vector<16xi1>, vector<16xf32>
      %select_n3A_149 = arith.select %gt3A_146, %select_n3A_141, %select_n3A_148 : vector<16xi1>, vector<16xf32>
      %select_n3A_150 = arith.select %gt3A_147, %broadcast_in_dim3A_144, %select_n3A_140 : vector<16xi1>, vector<16xi32>
      %select_n3A_151 = arith.select %gt3A_146, %select_n3A_142, %select_n3A_150 : vector<16xi1>, vector<16xi32>
      %select_n3A_152 = arith.select %gt3A_146, %gather3A_145, %select_n3A_141 : vector<16xi1>, vector<16xf32>
      %select_n3A_153 = arith.select %gt3A_146, %broadcast_in_dim3A_144, %select_n3A_142 : vector<16xi1>, vector<16xi32>
      %broadcast_in_dim3A_154 = arith.constant 13 : i32
      %broadcast_in_dim3A_155 = vector.broadcast %broadcast_in_dim3A_154 : i32 to vector<16xi32>
      %gather3A_156 = tpu.vector_load_idx %arg7[%add3A_21, %broadcast_in_dim3A_155] : memref<512x16xf32, #tpu.memory_space<vmem>>[vector<16xi32>, vector<16xi32>], vector<16xf32>,
      %gt3A_157 = arith.cmpf ogt, %gather3A_156, %select_n3A_152 : vector<16xf32>
      %gt3A_158 = arith.cmpf ogt, %gather3A_156, %select_n3A_149 : vector<16xf32>
      %select_n3A_159 = arith.select %gt3A_158, %gather3A_156, %select_n3A_149 : vector<16xi1>, vector<16xf32>
      %select_n3A_160 = arith.select %gt3A_157, %select_n3A_152, %select_n3A_159 : vector<16xi1>, vector<16xf32>
      %select_n3A_161 = arith.select %gt3A_158, %broadcast_in_dim3A_155, %select_n3A_151 : vector<16xi1>, vector<16xi32>
      %select_n3A_162 = arith.select %gt3A_157, %select_n3A_153, %select_n3A_161 : vector<16xi1>, vector<16xi32>
      %select_n3A_163 = arith.select %gt3A_157, %gather3A_156, %select_n3A_152 : vector<16xi1>, vector<16xf32>
      %select_n3A_164 = arith.select %gt3A_157, %broadcast_in_dim3A_155, %select_n3A_153 : vector<16xi1>, vector<16xi32>
      %broadcast_in_dim3A_165 = arith.constant 14 : i32
      %broadcast_in_dim3A_166 = vector.broadcast %broadcast_in_dim3A_165 : i32 to vector<16xi32>
      %gather3A_167 = tpu.vector_load_idx %arg7[%add3A_21, %broadcast_in_dim3A_166] : memref<512x16xf32, #tpu.memory_space<vmem>>[vector<16xi32>, vector<16xi32>], vector<16xf32>,
      %gt3A_168 = arith.cmpf ogt, %gather3A_167, %select_n3A_163 : vector<16xf32>
      %gt3A_169 = arith.cmpf ogt, %gather3A_167, %select_n3A_160 : vector<16xf32>
      %select_n3A_170 = arith.select %gt3A_169, %gather3A_167, %select_n3A_160 : vector<16xi1>, vector<16xf32>
      %select_n3A_171 = arith.select %gt3A_168, %select_n3A_163, %select_n3A_170 : vector<16xi1>, vector<16xf32>
      %select_n3A_172 = arith.select %gt3A_169, %broadcast_in_dim3A_166, %select_n3A_162 : vector<16xi1>, vector<16xi32>
      %select_n3A_173 = arith.select %gt3A_168, %select_n3A_164, %select_n3A_172 : vector<16xi1>, vector<16xi32>
      %select_n3A_174 = arith.select %gt3A_168, %gather3A_167, %select_n3A_163 : vector<16xi1>, vector<16xf32>
      %select_n3A_175 = arith.select %gt3A_168, %broadcast_in_dim3A_166, %select_n3A_164 : vector<16xi1>, vector<16xi32>
      %broadcast_in_dim3A_176 = arith.constant 15 : i32
      %broadcast_in_dim3A_177 = vector.broadcast %broadcast_in_dim3A_176 : i32 to vector<16xi32>
      %gather3A_178 = tpu.vector_load_idx %arg7[%add3A_21, %broadcast_in_dim3A_177] : memref<512x16xf32, #tpu.memory_space<vmem>>[vector<16xi32>, vector<16xi32>], vector<16xf32>,
      %gt3A_179 = arith.cmpf ogt, %gather3A_178, %select_n3A_174 : vector<16xf32>
      %gt3A_180 = arith.cmpf ogt, %gather3A_178, %select_n3A_171 : vector<16xf32>
      %select_n3A_181 = arith.select %gt3A_180, %gather3A_178, %select_n3A_171 : vector<16xi1>, vector<16xf32>
      %select_n3A_182 = arith.select %gt3A_179, %select_n3A_174, %select_n3A_181 : vector<16xi1>, vector<16xf32>
      %select_n3A_183 = arith.select %gt3A_180, %broadcast_in_dim3A_177, %select_n3A_173 : vector<16xi1>, vector<16xi32>
      %select_n3A_184 = arith.select %gt3A_179, %select_n3A_175, %select_n3A_183 : vector<16xi1>, vector<16xi32>
      %select_n3A_185 = arith.select %gt3A_179, %gather3A_178, %select_n3A_174 : vector<16xi1>, vector<16xf32>
      %select_n3A_186 = arith.select %gt3A_179, %broadcast_in_dim3A_177, %select_n3A_175 : vector<16xi1>, vector<16xi32>
      %sub3A = arith.subf %select_n3A_182, %select_n3A_185 : vector<16xf32>
      %exp3A = math.exp %sub3A : vector<16xf32>
      %add3A_187 = arith.constant 1.000000e+00 : f32
      %add3A_188 = vector.broadcast %add3A_187 : f32 to vector<16xf32>
      %add3A_189 = arith.addf %add3A_188, %exp3A : vector<16xf32>
      %div3A = arith.constant 1.000000e+00 : f32
      %div3A_190 = vector.broadcast %div3A : f32 to vector<16xf32>
      %div3A_191 = arith.divf %div3A_190, %add3A_189 : vector<16xf32>
      %swap3A = arith.index_cast %mul3A_19 : i32 to index
      %swap3A_192 = tpu.vector_load %arg8[%swap3A] {strides = array<i32>} : memref<512xf32, #tpu.memory_space<vmem>>, vector<16xf32>,
      tpu.vector_store %arg8[%swap3A], %div3A_191 {strides = array<i32>} : memref<512xf32, #tpu.memory_space<vmem>>, vector<16xf32>,
      %div3A_193 = arith.divf %exp3A, %add3A_189 : vector<16xf32>
      %swap3A_194 = arith.index_cast %mul3A_19 : i32 to index
      %swap3A_195 = tpu.vector_load %arg9[%swap3A_194] {strides = array<i32>} : memref<512xf32, #tpu.memory_space<vmem>>, vector<16xf32>,
      tpu.vector_store %arg9[%swap3A_194], %div3A_193 {strides = array<i32>} : memref<512xf32, #tpu.memory_space<vmem>>, vector<16xf32>,
      %swap3A_196 = arith.index_cast %mul3A_19 : i32 to index
      %swap3A_197 = tpu.vector_load %arg10[%swap3A_196] {strides = array<i32>} : memref<512xi32, #tpu.memory_space<vmem>>, vector<16xi32>,
      tpu.vector_store %arg10[%swap3A_196], %select_n3A_186 {strides = array<i32>} : memref<512xi32, #tpu.memory_space<vmem>>, vector<16xi32>,
      %swap3A_198 = arith.index_cast %mul3A_19 : i32 to index
      %swap3A_199 = tpu.vector_load %arg11[%swap3A_198] {strides = array<i32>} : memref<512xi32, #tpu.memory_space<vmem>>, vector<16xi32>,
      tpu.vector_store %arg11[%swap3A_198], %select_n3A_184 {strides = array<i32>} : memref<512xi32, #tpu.memory_space<vmem>>, vector<16xi32>,
    }
    %scan3A_16 = arith.constant 32 : i32
    "tpu.region"() ({
      %run_scoped3A = tpu.sem_alloc : memref<!tpu.dma_semaphore, #tpu.memory_space<semaphore_mem>>
      %dma_start3A_17 = tpu.memref_slice %arg3[%mul3A_2] : memref<16384xf32, #tpu.memory_space<hbm>> -> memref<512xf32, #tpu.memory_space<hbm>>
      %dma_start3A_18 = tpu.memref_slice %arg3[%mul3A_2] : memref<16384xf32, #tpu.memory_space<hbm>> -> memref<512xf32, #tpu.memory_space<hbm>>
      tpu.enqueue_dma source(%arg8 : memref<512xf32, #tpu.memory_space<vmem>>) target(%dma_start3A_18 : memref<512xf32, #tpu.memory_space<hbm>>) target_semaphore(%run_scoped3A : memref<!tpu.dma_semaphore, #tpu.memory_space<semaphore_mem>>)
      %dma_wait3A_19 = tpu.memref_slice %arg3[%mul3A_2] : memref<16384xf32, #tpu.memory_space<hbm>> -> memref<512xf32, #tpu.memory_space<hbm>>
      %dma_wait3A_20 = tpu.memref_slice %arg3[%mul3A_2] : memref<16384xf32, #tpu.memory_space<hbm>> -> memref<512xf32, #tpu.memory_space<hbm>>
      tpu.wait_dma2 semaphore(%run_scoped3A : memref<!tpu.dma_semaphore, #tpu.memory_space<semaphore_mem>>) src(%arg8 : memref<512xf32, #tpu.memory_space<vmem>>) dst(%dma_wait3A_20 : memref<512xf32, #tpu.memory_space<hbm>>)
      tpu.yield
    }) : () -> ()
    "tpu.region"() ({
      %run_scoped3A = tpu.sem_alloc : memref<!tpu.dma_semaphore, #tpu.memory_space<semaphore_mem>>
      %dma_start3A_17 = tpu.memref_slice %arg4[%mul3A_2] : memref<16384xf32, #tpu.memory_space<hbm>> -> memref<512xf32, #tpu.memory_space<hbm>>
      %dma_start3A_18 = tpu.memref_slice %arg4[%mul3A_2] : memref<16384xf32, #tpu.memory_space<hbm>> -> memref<512xf32, #tpu.memory_space<hbm>>
      tpu.enqueue_dma source(%arg9 : memref<512xf32, #tpu.memory_space<vmem>>) target(%dma_start3A_18 : memref<512xf32, #tpu.memory_space<hbm>>) target_semaphore(%run_scoped3A : memref<!tpu.dma_semaphore, #tpu.memory_space<semaphore_mem>>)
      %dma_wait3A_19 = tpu.memref_slice %arg4[%mul3A_2] : memref<16384xf32, #tpu.memory_space<hbm>> -> memref<512xf32, #tpu.memory_space<hbm>>
      %dma_wait3A_20 = tpu.memref_slice %arg4[%mul3A_2] : memref<16384xf32, #tpu.memory_space<hbm>> -> memref<512xf32, #tpu.memory_space<hbm>>
      tpu.wait_dma2 semaphore(%run_scoped3A : memref<!tpu.dma_semaphore, #tpu.memory_space<semaphore_mem>>) src(%arg9 : memref<512xf32, #tpu.memory_space<vmem>>) dst(%dma_wait3A_20 : memref<512xf32, #tpu.memory_space<hbm>>)
      tpu.yield
    }) : () -> ()
    "tpu.region"() ({
      %run_scoped3A = tpu.sem_alloc : memref<!tpu.dma_semaphore, #tpu.memory_space<semaphore_mem>>
      %dma_start3A_17 = tpu.memref_slice %arg5[%mul3A_2] : memref<16384xi32, #tpu.memory_space<hbm>> -> memref<512xi32, #tpu.memory_space<hbm>>
      %dma_start3A_18 = tpu.memref_slice %arg5[%mul3A_2] : memref<16384xi32, #tpu.memory_space<hbm>> -> memref<512xi32, #tpu.memory_space<hbm>>
      tpu.enqueue_dma source(%arg10 : memref<512xi32, #tpu.memory_space<vmem>>) target(%dma_start3A_18 : memref<512xi32, #tpu.memory_space<hbm>>) target_semaphore(%run_scoped3A : memref<!tpu.dma_semaphore, #tpu.memory_space<semaphore_mem>>)
      %dma_wait3A_19 = tpu.memref_slice %arg5[%mul3A_2] : memref<16384xi32, #tpu.memory_space<hbm>> -> memref<512xi32, #tpu.memory_space<hbm>>
      %dma_wait3A_20 = tpu.memref_slice %arg5[%mul3A_2] : memref<16384xi32, #tpu.memory_space<hbm>> -> memref<512xi32, #tpu.memory_space<hbm>>
      tpu.wait_dma2 semaphore(%run_scoped3A : memref<!tpu.dma_semaphore, #tpu.memory_space<semaphore_mem>>) src(%arg10 : memref<512xi32, #tpu.memory_space<vmem>>) dst(%dma_wait3A_20 : memref<512xi32, #tpu.memory_space<hbm>>)
      tpu.yield
    }) : () -> ()
    "tpu.region"() ({
      %run_scoped3A = tpu.sem_alloc : memref<!tpu.dma_semaphore, #tpu.memory_space<semaphore_mem>>
      %dma_start3A_17 = tpu.memref_slice %arg6[%mul3A_2] : memref<16384xi32, #tpu.memory_space<hbm>> -> memref<512xi32, #tpu.memory_space<hbm>>
      %dma_start3A_18 = tpu.memref_slice %arg6[%mul3A_2] : memref<16384xi32, #tpu.memory_space<hbm>> -> memref<512xi32, #tpu.memory_space<hbm>>
      tpu.enqueue_dma source(%arg11 : memref<512xi32, #tpu.memory_space<vmem>>) target(%dma_start3A_18 : memref<512xi32, #tpu.memory_space<hbm>>) target_semaphore(%run_scoped3A : memref<!tpu.dma_semaphore, #tpu.memory_space<semaphore_mem>>)
      %dma_wait3A_19 = tpu.memref_slice %arg6[%mul3A_2] : memref<16384xi32, #tpu.memory_space<hbm>> -> memref<512xi32, #tpu.memory_space<hbm>>
      %dma_wait3A_20 = tpu.memref_slice %arg6[%mul3A_2] : memref<16384xi32, #tpu.memory_space<hbm>> -> memref<512xi32, #tpu.memory_space<hbm>>
      tpu.wait_dma2 semaphore(%run_scoped3A : memref<!tpu.dma_semaphore, #tpu.memory_space<semaphore_mem>>) src(%arg11 : memref<512xi32, #tpu.memory_space<vmem>>) dst(%dma_wait3A_20 : memref<512xi32, #tpu.memory_space<hbm>>)
      tpu.yield
    }) : () -> ()
    return
  }
}

module attributes {stable_mosaic.version = 14 : i64} {
  func.func @_gate_body(%arg0: i32, %arg1: memref<1024x2048xf32, #tpu.memory_space<vmem>>, %arg2: memref<16x2048xf32, #tpu.memory_space<vmem>>, %arg3: memref<1024x16xf32, #tpu.memory_space<vmem>>) attributes {dimension_semantics = [#tpu.dimension_semantics<parallel>], iteration_bounds = array<i64: 16>, scalar_prefetch = 0 : i64, scratch_operands = 0 : i64, tpu.core_type = #tpu.core_type<tc>, window_params = [{transform_indices = @transform_0, window_bounds = array<i64: 1024, 2048>}, {pipeline_mode = #tpu.pipeline_mode<synchronous>, transform_indices = @transform_1, window_bounds = array<i64: 16, 2048>}, {transform_indices = @transform_2, window_bounds = array<i64: 1024, 16>}]} {
    %get3A = arith.constant 0 : index
    %get3A_0 = arith.constant 0 : index
    %get3A_1 = vector.load %arg1[%get3A, %get3A_0] : memref<1024x2048xf32, #tpu.memory_space<vmem>>, vector<1024x2048xf32>
    %get3A_2 = arith.constant 0 : index
    %get3A_3 = arith.constant 0 : index
    %get3A_4 = vector.load %arg2[%get3A_2, %get3A_3] : memref<16x2048xf32, #tpu.memory_space<vmem>>, vector<16x2048xf32>
    %dot_general3A = arith.constant dense<0.000000e+00> : vector<1024x16xf32>
    %dot_general3A_5 = tpu.matmul %get3A_1, %get3A_4, %dot_general3A {dimension_numbers = #tpu.dot_dimension_numbers<[1], [1], [0], [0], [0, 0, 1, 0], [], []>, transpose_lhs_hint = false} : vector<1024x2048xf32>, vector<16x2048xf32>, vector<1024x16xf32> -> vector<1024x16xf32>
    %jit3A = arith.constant -5.000000e+01 : f32
    %jit3A_6 = arith.constant 5.000000e+01 : f32
    %max3A = vector.broadcast %jit3A : f32 to vector<1024x16xf32>
    %max3A_7 = arith.maximumf %max3A, %dot_general3A_5 : vector<1024x16xf32>
    %min3A = vector.broadcast %jit3A_6 : f32 to vector<1024x16xf32>
    %min3A_8 = arith.minimumf %min3A, %max3A_7 : vector<1024x16xf32>
    %swap3A = arith.constant 0 : index
    %swap3A_9 = arith.constant 0 : index
    %swap3A_10 = vector.load %arg3[%swap3A, %swap3A_9] : memref<1024x16xf32, #tpu.memory_space<vmem>>, vector<1024x16xf32>
    tpu.vector_store %arg3[%swap3A, %swap3A_9], %min3A_8 {strides = array<i32>} : memref<1024x16xf32, #tpu.memory_space<vmem>>, vector<1024x16xf32>,
    return
  }
  func.func @transform_0(%arg0: i32) -> (i32, i32) {
    %c0_i32 = arith.constant 0 : i32
    %c0_i32_0 = arith.constant 0 : i32
    return %arg0, %c0_i32 : i32, i32
  }
  func.func @transform_1(%arg0: i32) -> (i32, i32) {
    %c0_i32 = arith.constant 0 : i32
    %c0_i32_0 = arith.constant 0 : i32
    %c0_i32_1 = arith.constant 0 : i32
    return %c0_i32, %c0_i32_0 : i32, i32
  }
  func.func @transform_2(%arg0: i32) -> (i32, i32) {
    %c0_i32 = arith.constant 0 : i32
    %c0_i32_0 = arith.constant 0 : i32
    return %arg0, %c0_i32 : i32, i32
  }
}

</mosaic_0001>

<sc_bundles>
// kernel: kernel.4.cloned.1.call-start
scs
__scs_entry_jumppad:
0x0: {  	(pc) =	sbr.rel $0x88, $3  }
0x1: {  	(tag) =	ssettag $0x0;
	lr =	simm.s32 $0x1  }
0x2: {  	[smem:$0x3F9F] =	sst lr;
	_ =	strace $0xD0000000  }
0x3: {  	_ = 	snop  }
0x4: {  	_ = 	snop  }
0x5: {  	_ = 	snop  }
0x6: {  	_ = 	snop  }
0x7: {  	_ = 	snop  }
__scs_overlays_trampoline_lowered:
0x8: {  	[smem:$0x3FAE] =	sst s0  }
0x9: {  	[smem:$0x3FAF] =	sst s1  }
0xa: {  	[smem:$0x3FB0] =	sst s2  }
0xb: {  	[smem:$0x3FB1] =	sst s3  }
0xc: {  	[smem:$0x3FB2] =	sst s4  }
0xd: {  	[smem:$0x3FB3] =	sst s5  }
0xe: {  	[smem:$0x3FB4] =	sst s6  }
0xf: {  	[smem:$0x3FB5] =	sst s7  }
0x10: {  	[smem:$0x3FB6] =	sst s8  }
0x11: {  	[smem:$0x3FB7] =	sst s9;
	s0 =	simm.s32 @!p0 $0x0  }
0x12: {  	s1 =	sld [smem:$0x3F9D];
	s0 =	simm.s32 @p0 $0x1  }
0x13: {  	[smem:$0x3FB8] =	sst s0;
	s0 =	simm.s32 @!p1 $0x0  }
0x14: {  	s2 =	sld [smem:$0x3F9C];
	s0 =	simm.s32 @p1 $0x1  }
0x15: {  	[smem:$0x3FB9] =	sst s0;
	s0 =	simm.s32 @!p2 $0x0  }
0x16: {  	s3 =	sld [smem:$0x3FDB];
	s0 =	simm.s32 @p2 $0x1  }
0x17: {  	s4 =	simm.s32 $0x1BF5;
	[smem:$0x3FBB] =	sst s0  }
0x18: {  	s0 =	sld [smem:$0x3F9E];
	_ =	swait.ge [sflag:s4], $0x0  }
0x19: {  	s7 =	sld [smem:$0x3F9F]  }
0x1a: {  	s8 =	sadd.s32 $0xFFFFE003, lr  }
0x1b: {  	s9 =	sadd.s32 $0xFFFFFEF7, lr;
	s5 =	simm.s32 $0xFFFFFFFF;
	p2 =	slt.u32 s8, $0xFFFFF086  }
0x1c: {  	p1 =	slt.u32 s9, $0xF7A;
	s5 =	simm.s32 @!p2 $0x0  }
0x1d: {  	s5 =	simm.s32 @p1 $0x1;
	p0 =	seq.s32 s7, s2  }
0x1e: {  	s7 =	smul.u32 @!p0 $0xF7A, s2;
	p2 =	seq.s32 @!p0 s5, $0x0  }
0x1f: {  	s9 =	smul.u32 $0xF7A, s1;
	s8 =	simm.s32 @!p0 $0x1BF5;
	p2 =	por !p2, p0  }
0x20: {  	[sflag:s8] =	ssyncset.s32 @!p0 $0xFFFFF086;
	s6 =	sadd.s32 @!p0 s3, s7;
	s7 =	simm.s32 @!p0 $0x108  }
0x21: {  	s3 =	sadd.s32 s3, s9;
	s6 =	sadd.s32 @!p0 $0x88, s6;
	s7 =	simm.s32 @p2 $0x1082  }
0x22: {  	[simem:s7], [sflag:s8] =	dma.local @!p0 [hbm:s6], $0xF7A  }
0x23: {  	s9 =	sor.u32 $0xD0000000, s2;
	s6 =	simm.s32 $0x108;
	_ =	swait.ge @!p0 [sflag:s8], $0x0  }
0x24: {  	s3 =	sadd.s32 $0x88, s3;
	s6 =	simm.s32 @!p1 $0x1082;
	[sflag:s4] =	ssyncset.s32 $0xFFFFF086  }
0x25: {  	[simem:s6], [sflag:s4] =	dma.local [hbm:s3], $0xF7A  }
0x26: {  	[smem:$0x3F9F] =	sst s1;
	(tag) =	ssettag s2;
	_ =	strace s9  }
0x27: {  	s1 =	sld [smem:$0x3FAF]  }
0x28: {  	s2 =	sld [smem:$0x3FB0]  }
0x29: {  	s4 =	sld [smem:$0x3FB2]  }
0x2a: {  	p0 =	seq.s32 s5, $0x0;
	s5 =	sld [smem:$0x3FB3]  }
0x2b: {  	s6 =	sld [smem:$0x3FB4]  }
0x2c: {  	s7 =	sld [smem:$0x3FB5]  }
0x2d: {  	s3 =	simm.s32 $0x108;
	s8 =	sld [smem:$0x3FB6]  }
0x2e: {  	s3 =	simm.s32 @!p0 $0x1082;
	s9 =	sld [smem:$0x3FB7]  }
0x2f: {  	lr =	sadd.s32 s0, s3;
	s0 =	sld [smem:$0x3FAE]  }
0x30: {  	s3 =	sld [smem:$0x3FB1]  }
0x31: {  	[smem:$0x3FBA] =	sst s10  }
0x32: {  	s10 =	sld [smem:$0x3FB8];
	_ =	sdelay $0x3  }
0x33: {  	p0 =	seq.s32 s10, $0x1;
	s10 =	sld [smem:$0x3FBA];
	_ =	sdelay $0x3  }
0x34: {  	[smem:$0x3FBA] =	sst s10  }
0x35: {  	s10 =	sld [smem:$0x3FB9];
	_ =	sdelay $0x3  }
0x36: {  	p1 =	seq.s32 s10, $0x1;
	s10 =	sld [smem:$0x3FBA];
	_ =	sdelay $0x3  }
0x37: {  	[smem:$0x3FBA] =	sst s10  }
0x38: {  	s10 =	sld [smem:$0x3FBB]  }
0x39: {  	_ = 	snop;
	(pc) =	sbr.ind lr, $3  }
0x3a: {  	_ = 	snop  }
0x3b: {  	_ = 	snop  }
0x3c: {  	p2 =	seq.s32 s10, $0x1;
	s10 =	sld [smem:$0x3FBA]  }
0x3d: {  	_ =	shalt  }
0x3e: {  	_ =	shalt  }
0x3f: {  	_ =	shalt  }
0x40: {  	_ =	shalt  }
0x41: {  	_ =	shalt  }
0x42: {  	_ =	shalt  }
0x43: {  	_ =	shalt  }
0x44: {  	_ =	shalt  }
0x45: {  	_ =	shalt  }
0x46: {  	_ =	shalt  }
0x47: {  	_ =	shalt  }
0x48: {  	_ =	shalt  }
0x49: {  	_ =	shalt  }
0x4a: {  	_ =	shalt  }
0x4b: {  	_ =	shalt  }
0x4c: {  	_ =	shalt  }
0x4d: {  	_ =	shalt  }
0x4e: {  	_ =	shalt  }
0x4f: {  	_ =	shalt  }
0x50: {  	_ =	shalt  }
0x51: {  	_ =	shalt  }
0x52: {  	_ =	shalt  }
0x53: {  	_ =	shalt  }
0x54: {  	_ =	shalt  }
0x55: {  	_ =	shalt  }
0x56: {  	_ =	shalt  }
0x57: {  	_ =	shalt  }
0x58: {  	_ =	shalt  }
0x59: {  	_ =	shalt  }
0x5a: {  	_ =	shalt  }
0x5b: {  	_ =	shalt  }
0x5c: {  	_ =	shalt  }
0x5d: {  	_ =	shalt  }
0x5e: {  	_ =	shalt  }
0x5f: {  	_ =	shalt  }
0x60: {  	_ =	shalt  }
0x61: {  	_ =	shalt  }
0x62: {  	_ =	shalt  }
0x63: {  	_ =	shalt  }
0x64: {  	_ =	shalt  }
0x65: {  	_ =	shalt  }
0x66: {  	_ =	shalt  }
0x67: {  	_ =	shalt  }
0x68: {  	_ =	shalt  }
0x69: {  	_ =	shalt  }
0x6a: {  	_ =	shalt  }
0x6b: {  	_ =	shalt  }
0x6c: {  	_ =	shalt  }
0x6d: {  	_ =	shalt  }
0x6e: {  	_ =	shalt  }
0x6f: {  	_ =	shalt  }
0x70: {  	_ =	shalt  }
0x71: {  	_ =	shalt  }
0x72: {  	_ =	shalt  }
0x73: {  	_ =	shalt  }
0x74: {  	_ =	shalt  }
0x75: {  	_ =	shalt  }
0x76: {  	_ =	shalt  }
0x77: {  	_ =	shalt  }
0x78: {  	_ =	shalt  }
0x79: {  	_ =	shalt  }
0x7a: {  	_ =	shalt  }
0x7b: {  	_ =	shalt  }
0x7c: {  	_ =	shalt  }
0x7d: {  	_ =	shalt  }
0x7e: {  	_ =	shalt  }
0x7f: {  	_ =	shalt  }
0x80: {  	_ =	shalt  }
0x81: {  	_ =	shalt  }
0x82: {  	_ =	shalt  }
0x83: {  	_ =	shalt  }
0x84: {  	_ =	shalt  }
0x85: {  	_ =	shalt  }
0x86: {  	_ =	shalt  }
0x87: {  	_ =	shalt  }
.Lfunc_end0:
.L_simem_size_0:
called_computation_lowered:
.L_overlay_start_0:
0x88: {  	s2 =	sld [smem:$0x3FD9]  }
0x89: {  	s3 =	sld [smem:$0x3FFE];
	_ =	sdelay $0x1  }
0x8a: {  	s1 =	srdreg.scid  }
0x8b: {  	s0 =	sand.u32 $0x1, s1  }
0x8c: {  	s14 =	sshll.u32 s0, $0xA;
	s2 =	sadd.s32 s3, s2  }
0x8d: {  	s2 =	sadd.s32 s2, s14  }
0x8e: {  	[smem:$0x3FC6] =	sst s2  }
0x8f: {  	_ = 	snop  }
0x90: {  	s2 =	sld [smem:$0x3FD0];
	_ =	sdelay $0x2  }
0x91: {  	s15 =	simm.s32 $0xA;
	s4 =	simm.s32 $0x10  }
0x92: {  	[smem:s4], [sflag:s15] =	dma.local [hbm:s2], $0x1  }
0x93: {  	_ =	swait.eq [sflag:s15], $0x1  }
0x94: {  	[sflag:s15] =	ssyncset.done $0x0  }
0x95: {  	[sflag:s15] =	ssyncadd.s32 $0xFFFFFFFF  }
0x96: {  	s16 =	sld [smem:$0x12];
	(tm) =	ssettm $0x1  }
0x97: {  	s17 =	sld [smem:$0x3FFB];
	_ =	sdelay $0x3  }
0x98: {  	_ =	strace s17  }
0x99: {  	s3 =	sld [smem:$0x3FFC];
	_ =	sdelay $0x3  }
0x9a: {  	_ =	strace s3  }
0x9b: {  	s3 =	sld [smem:$0x3FFD];
	_ =	sdelay $0x3  }
0x9c: {  	_ =	strace s3  }
0x9d: {  	_ =	strace $0x8FFFFFFF  }
0x9e: {  	s18 =	sld [smem:$0x3FDB];
	_ =	sdelay $0x1  }
0x9f: {  	s19 =	simm.s32 $_scs_section_size  }
0xa0: {  	s5 =	simm.s32 $_size__tile_overlayer_lowered;
	s6 =	simm.s32 $_tile_overlayer_lowered  }
0xa1: {  	s22 =	simm.s32 $0x1BFF;
	s21 =	sshll.u32 s6, $0x1;
	s3 =	sadd.s32 s19, s18  }
0xa2: {  	s7 =	simm.s32 $0x0;
	s20 =	sshll.u32 s5, $0x1;
	s5 =	sadd.s32 s21, s3  }
0xa3: {  	[timem:s7], [sflag:s22] =	dma.local [hbm:s5], s20  }
0xa4: {  	_ =	swait.ge [sflag:s22], s20  }
0xa5: {  	s4 =	ssub.s32 $0x0, s20;
	[sflag:s22] =	ssyncset.done $0x0  }
0xa6: {  	[sflag:s22] =	ssyncadd.s32 s4;
	_ =	sdelay $0x1  }
0xa7: {  	s23 =	simm.s32 $0x1B8B  }
0xa8: {  	_ =	swait.ge [sflag:s23], $0x1  }
0xa9: {  	[sflag:s23] =	ssyncset.done $0x0  }
0xaa: {  	s25 =	simm.s32 $0x1B8E;
	s24 =	sld [smem:$0x3FFE];
	[sflag:s23] =	ssyncadd.s32 $0xFFFFFFFF  }
0xab: {  	s26 =	simm.s32 $execute0_lowered;
	[smem:$0x3FD2] =	sst s25  }
0xac: {  	s5 =	sshll.u32 s26, $0x1;
	_ =	strace $0x80000046;
	[dreg:$0x1] =	wrdreg $0xFFFFFFFF  }
0xad: {  	s28 =	simm.s32 $_size_execute0_lowered;
	s3 =	sadd.s32 s3, s5;
	[dreg:$0x0] =	wrdreg $0x0  }
0xae: {  	s5 =	sshll.u32 s28, $0x1;
	[dreg:$0x2] =	wrdreg s3  }
0xaf: {  	[dreg:$0x3] =	wrdreg s5  }
0xb0: {  	[dreg:$0x4] =	wrdreg $0xC0  }
0xb1: {  	_ =	task [dreg:s7], $0x5FFFF  }
0xb2: {  	[dreg:$0x1] =	wrdreg $0xFFFFFFFF  }
0xb3: {  	[dreg:$0x0] =	wrdreg $0x60  }
0xb4: {  	[dreg:$0x2] =	wrdreg s24  }
0xb5: {  	[dreg:$0x3] =	wrdreg s16  }
0xb6: {  	[dreg:$0x4] =	wrdreg $0x9  }
0xb7: {  	_ =	task.clear_ibuf [dreg:s7], $0x5FFFF;
	_ =	strace $0x90000046  }
0xb8: {  	s29 =	simm.s32 $0x9;
	_ =	strace $0x80000048  }
0xb9: {  	_ =	swait.ge [sflag:s29], $0x1  }
0xba: {  	[sflag:s29] =	ssyncadd.s32 $0xFFFFFFFF  }
0xbb: {  	_ =	strace $0x90000048  }
0xbc: {  	_ =	sfence  }
0xbd: {  	s30 =	sld [smem:$0x0];
	_ =	sdelay $0x2  }
0xbe: {  	s31 =	sshll.u32 s1, $0xD;
	s1 =	sshrl.u32 s1, $0x2  }
0xbf: {  	s3 =	sand.u32 $0x4000, s31;
	s1 =	sadd.s32 s1, s30  }
0xc0: {  	s0 =	sor.u32 s3, s0;
	s1 =	sshll.u32 s1, $0x11  }
0xc1: {  	s0 =	sor.u32 s1, s0  }
0xc2: {  	s0 =	sadd.s32 $0x8F2B, s0  }
0xc3: {  	[sflag:s0] =	ssyncadd.remote.s32 $0x1  }
0xc4: {  	_ =	sfence.sel $0xFFFF  }
0xc5: {  	[dreg:$0x0] =	wrdreg $0xFFFFFFFF;
	(pc) =	sbr.abs _section_cstart, $3  }
0xc6: {  	[dreg:$0x1] =	wrdreg $0xFFFFFFFF  }
0xc7: {  	_ =	task.clear_ibuf [dreg:s7], $0x2FFFF;
	_ =	strace $0x9FFFFFFF  }
0xc8: {  	(tm) =	ssettm $0x7FFFFFFF  }
0xc9: {  	_ =	shalt  }
tec
execute0_lowered:
.L_overlay_start_1:
0x0: {  	(tag) =	ssettag $0x1  }
0x1: {  	s3 =	rddreg [dreg:$0x0]  }
0x2: {  	s4 =	rddreg [dreg:$0x1];
	s2 =	srdreg.scid  }
0x3: {  	s0 =	rddreg [dreg:$0x2];
	s1 =	stileid.u32  }
0x4: {  	s10 =	simm.s32 $0x10000;
	s11 =	simm.s32 $0x2;
	s12 =	simm.s32 $0x10200  }
0x5: {  	s13 =	simm.s32 $0x10400;
	s14 =	simm.s32 $0x10600;
	s15 =	simm.s32 $0x0  }
0x6: {  	s5 =	sand.u32 $0x1, s2;
	s2 =	simm.s32 $0x0;
	s6 =	sshll.u32 s1, $0xA  }
0x7: {  	s7 =	sshll.u32 s5, $0x9;
	[smem:$0x7FF] =	sst s2;
	s5 =	ssub.s32 $0x2, s5  }
0x8: {  	s6 =	sor.u32 s7, s6;
	_ =	strace $0x80000047;
	s8 =	sshrl.u32 s5, $0x1  }
0x9: {  	s7 =	sshll.u32 s6, $0x4;
	s6 =	sshrl.u32 s6, $0x3;
	s8 =	ssub.s32 s5, s8  }
0xa: {  	s7 =	sadd.s32 s7, s3;
	s9 =	sadd.s32 s6, s3;
	s4 =	sadd.s32 s4, s6  }
0xb: {  	v0 =	vlaneseq.u32;
	s8 =	smax.u32 s8, $0x1;
	s3 =	sadd.s32 $0xC00, s7;
	s5 =	sadd.s32 $0x40C00, s9  }
0xc: {  	v1 =	vimm.s32 $0x0;
	v0 =	vmul.u32 $0x80, v0;
	s6 =	sadd.s32 $0x41400, s9;
	s7 =	sadd.s32 $0x41C00, s9;
	s9 =	simm.s32 $0x1  }
.LBB2_1:
0xd: {  	v2 =	vmov s2  }
0xe: {  	v2 =	vshll.u32 v2, $0x7  }
0xf: {  	v2 =	vor.u32 v0, v2  }
0x10: {  	v3 =	vor.u32 $0x1, v2  }
0x11: {  	[tilespmem:s2], [sflag:$0x1] =	stream.linear.gather [hbm4b:s3+s2], $0x10000, $0x38;
	[tilespmem:$0x10800] =	vst v63  }
0x12: {  	_ =	swait.ge [sflag:s9], $0x10000  }
0x13: {  	[sflag:s9] =	ssyncset.done $0x0  }
0x14: {  	[sflag:s9] =	ssyncadd.s32 $0xFFFF0000  }
0x15: {  	v4 =	vor.u32 $0x2, v2;
	v3 =	vld.idx.msk [tilespmem:v3+s2+$0x0], $0xffff;
	_ =	sdelay $0x1  }
0x16: {  	v5 =	vld.idx.msk [tilespmem:v2+s2+$0x0], $0xffff;
	_ =	sdelay $0x1  }
0x17: {  	v6 =	vor.u32 $0x3, v2  }
0x18: {  	v4 =	vld.idx.msk [tilespmem:v4+s2+$0x0], $0xffff;
	vm0 =	vlt.f32 v3, $-Inf;
	vm1 =	vgt.f32 v3, $-Inf  }
0x19: {  	v8 =	vimm.s32 $0x0;
	vm0 =	vmor vm1, vm0  }
0x1a: {  	v7 =	vor.u32 $0x4, v2;
	vm13 =	vgt.f32 v3, v5;
	v8 =	vsel vm0, $0xFFFFFFFF, v8  }
0x1b: {  	vm11 =	vmneg vm13;
	[tilespmem:$0x1FF30] =	vst v8;
	v8 =	vnsel vm0, $0xFF800000, v3  }
0x1c: {  	v6 =	vld.idx.msk [tilespmem:v6+s2+$0x0], $0xffff;
	v8 =	vsel vm11, v8, v5  }
0x1d: {  	v3 =	vsel vm11, v5, v3;
	v5 =	vimm.s32 $0x0;
	vm7 =	vgt.f32 v4, v8  }
0x1e: {  	v9 =	vor.u32 $0x5, v2;
	v5 =	vsel vm7, $0xFFFFFFFF, v5  }
0x1f: {  	vm10 =	vgt.f32 v4, v3;
	[tilespmem:$0x1FF40] =	vst v5;
	v5 =	vld.idx.msk [tilespmem:v7+s2+$0x0], $0xffff;
	v7 =	vsel vm7, v4, v8  }
0x20: {  	v7 =	vsel vm10, v3, v7  }
0x21: {  	v3 =	vsel vm10, v4, v3;
	v4 =	vimm.s32 $0x0;
	vm12 =	vgt.f32 v6, v7  }
0x22: {  	v8 =	vor.u32 $0x6, v2;
	v4 =	vsel vm12, $0xFFFFFFFF, v4  }
0x23: {  	vm8 =	vgt.f32 v6, v3;
	v7 =	vsel vm12, v6, v7;
	[tilespmem:$0x1FF50] =	vst v4;
	v4 =	vld.idx.msk [tilespmem:v9+s2+$0x0], $0xffff  }
0x24: {  	v9 =	vor.u32 $0x7, v2;
	v7 =	vsel vm8, v3, v7  }
0x25: {  	v3 =	vsel vm8, v6, v3;
	v6 =	vimm.s32 $0x0;
	vm14 =	vgt.f32 v5, v7  }
0x26: {  	vm7 =	vgt.f32 v5, v3;
	v6 =	vsel vm14, $0xFFFFFFFF, v6;
	v7 =	vsel vm14, v5, v7  }
0x27: {  	[tilespmem:$0x1FF60] =	vst v6;
	v6 =	vld.idx.msk [tilespmem:v8+s2+$0x0], $0xffff;
	v7 =	vsel vm7, v3, v7  }
0x28: {  	v3 =	vsel vm7, v5, v3;
	v5 =	vimm.s32 $0x0;
	vm15 =	vgt.f32 v4, v7  }
0x29: {  	v8 =	vor.u32 $0x8, v2;
	v5 =	vsel vm15, $0xFFFFFFFF, v5  }
0x2a: {  	vm9 =	vgt.f32 v4, v3;
	v7 =	vsel vm15, v4, v7;
	[tilespmem:$0x1FF70] =	vst v5;
	v5 =	vld.idx.msk [tilespmem:v9+s2+$0x0], $0xffff  }
0x2b: {  	v9 =	vor.u32 $0x9, v2;
	v7 =	vsel vm9, v3, v7  }
0x2c: {  	v3 =	vsel vm9, v4, v3;
	v4 =	vimm.s32 $0x0;
	vm4 =	vgt.f32 v6, v7  }
0x2d: {  	vm12 =	vgt.f32 v6, v3;
	v4 =	vsel vm4, $0xFFFFFFFF, v4;
	v7 =	vsel vm4, v6, v7  }
0x2e: {  	[tilespmem:$0x1FF80] =	vst v4;
	v4 =	vld.idx.msk [tilespmem:v8+s2+$0x0], $0xffff;
	v7 =	vsel vm12, v3, v7  }
0x2f: {  	v3 =	vsel vm12, v6, v3;
	v6 =	vimm.s32 $0x0;
	vm5 =	vgt.f32 v5, v7  }
0x30: {  	v8 =	vor.u32 $0xA, v2;
	v6 =	vsel vm5, $0xFFFFFFFF, v6  }
0x31: {  	vm14 =	vgt.f32 v5, v3;
	v7 =	vsel vm5, v5, v7;
	[tilespmem:$0x1FF90] =	vst v6;
	v6 =	vld.idx.msk [tilespmem:v9+s2+$0x0], $0xffff  }
0x32: {  	v9 =	vor.u32 $0xB, v2;
	v7 =	vsel vm14, v3, v7  }
0x33: {  	v3 =	vsel vm14, v5, v3;
	v5 =	vimm.s32 $0x0;
	vm6 =	vgt.f32 v4, v7  }
0x34: {  	v5 =	vsel vm6, $0xFFFFFFFF, v5;
	v7 =	vsel vm6, v4, v7;
	vm6 =	vgt.f32 v4, v3  }
0x35: {  	[tilespmem:$0x1FFA0] =	vst v5;
	v5 =	vld.idx.msk [tilespmem:v8+s2+$0x0], $0xffff;
	v7 =	vsel vm6, v3, v7  }
0x36: {  	v3 =	vsel vm6, v4, v3;
	v4 =	vimm.s32 $0x0;
	vm15 =	vgt.f32 v6, v7  }
0x37: {  	v8 =	vor.u32 $0xC, v2;
	v4 =	vsel vm15, $0xFFFFFFFF, v4  }
0x38: {  	vm5 =	vgt.f32 v6, v3;
	v7 =	vsel vm15, v6, v7;
	[tilespmem:$0x1FFB0] =	vst v4;
	v4 =	vld.idx.msk [tilespmem:v9+s2+$0x0], $0xffff  }
0x39: {  	v9 =	vor.u32 $0xD, v2;
	v7 =	vsel vm5, v3, v7  }
0x3a: {  	v3 =	vsel vm5, v6, v3;
	v6 =	vimm.s32 $0x0;
	vm4 =	vgt.f32 v5, v7  }
0x3b: {  	v6 =	vsel vm4, $0xFFFFFFFF, v6;
	v7 =	vsel vm4, v5, v7;
	vm4 =	vgt.f32 v5, v3  }
0x3c: {  	[tilespmem:$0x1FFC0] =	vst v6;
	v6 =	vld.idx.msk [tilespmem:v8+s2+$0x0], $0xffff;
	v7 =	vsel vm4, v3, v7  }
0x3d: {  	v3 =	vsel vm4, v5, v3;
	v5 =	vimm.s32 $0x0;
	vm15 =	vgt.f32 v4, v7  }
0x3e: {  	v5 =	vsel vm15, $0xFFFFFFFF, v5  }
0x3f: {  	vm3 =	vgt.f32 v4, v3;
	v7 =	vsel vm15, v4, v7;
	[tilespmem:$0x1FFD0] =	vst v5;
	v5 =	vld.idx.msk [tilespmem:v9+s2+$0x0], $0xffff  }
0x40: {  	v7 =	vsel vm3, v3, v7  }
0x41: {  	v8 =	vor.u32 $0xE, v2;
	v3 =	vsel vm3, v4, v3;
	vm15 =	vgt.f32 v6, v7  }
0x42: {  	v4 =	vimm.s32 $0x0;
	vm2 =	vgt.f32 v6, v3;
	v7 =	vsel vm15, v6, v7  }
0x43: {  	v4 =	vsel vm15, $0xFFFFFFFF, v4;
	v7 =	vsel vm2, v3, v7  }
0x44: {  	v3 =	vsel vm2, v6, v3;
	v6 =	vimm.s32 $0x0;
	vm15 =	vgt.f32 v5, v7  }
0x45: {  	[tilespmem:$0x1FFE0] =	vst v4;
	v6 =	vsel vm15, $0xFFFFFFFF, v6  }
0x46: {  	v4 =	vld.idx.msk [tilespmem:v8+s2+$0x0], $0xffff;
	vm1 =	vgt.f32 v5, v3;
	[tilespmem:$0x1FFF0] =	vst v6;
	v6 =	vsel vm15, v5, v7  }
0x47: {  	v6 =	vsel vm1, v3, v6;
	v3 =	vsel vm1, v5, v3;
	v5 =	vld [tilespmem:$0x1FF30]  }
0x48: {  	v2 =	vor.u32 $0xF, v2;
	_ =	sdelay $0x3  }
0x49: {  	vm15 =	vgt.f32 v4, v6;
	vm0 =	vnez.u8 v5  }
0x4a: {  	v2 =	vld.idx.msk [tilespmem:v2+s2+$0x0], $0xffff;
	v5 =	vsel vm15, v4, v6;
	vm0 =	vmand vm11, vm0;
	vm11 =	vgt.f32 v4, v3  }
0x4b: {  	v5 =	vsel vm11, v3, v5;
	v3 =	vsel vm11, v4, v3;
	v4 =	vld [tilespmem:$0x1FF40];
	_ =	sdelay $0x3  }
0x4c: {  	v7 =	vsel vm13, $0x1, v1  }
0x4d: {  	v6 =	vsel vm0, $0x1, v1;
	vm13 =	vgt.f32 v2, v5;
	vm0 =	vnez.u8 v4  }
0x4e: {  	v5 =	vsel vm13, v2, v5;
	v4 =	vsel vm0, $0x2, v6;
	vm0 =	vgt.f32 v2, v3;
	v6 =	vld [tilespmem:$0x1FF50]  }
0x4f: {  	v5 =	vsel vm0, v3, v5;
	v2 =	vsel vm0, v2, v3  }
0x50: {  	v2 =	vsub.f32 v5, v2;
	v5 =	vld [tilespmem:$0x1FF60];
	_ =	sdelay $0x2  }
0x51: {  	v3 =	vsel vm10, v7, v4;
	v4 =	vsel vm10, $0x2, v7;
	vm10 =	vnez.u8 v6  }
0x52: {  	v3 =	vsel vm10, $0x3, v3  }
0x53: {  	v3 =	vsel vm8, v4, v3;
	v4 =	vsel vm8, $0x3, v4;
	vm8 =	vnez.u8 v5;
	v5 =	vld [tilespmem:$0x1FF70];
	_ =	sdelay $0x3  }
0x54: {  	v3 =	vsel vm8, $0x4, v3  }
0x55: {  	v2 =	vmul.f32 $1.442695020e+00, v2;
	v3 =	vsel vm7, v4, v3;
	vm10 =	vnez.u8 v5  }
0x56: {  	v4 =	vsel vm7, $0x4, v4;
	v3 =	vsel vm10, $0x5, v3  }
0x57: {  	(erf) = vpow2.f32 v2;
	v2 =	vsel vm9, v4, v3;
	v3 =	vsel vm9, $0x5, v4;
	v4 =	vld [tilespmem:$0x1FF80];
	_ =	sdelay $0x4  }
0x58: {  	vm9 =	vnez.u8 v4;
	v4 =	vld [tilespmem:$0x1FF90];
	_ =	sdelay $0x4  }
0x59: {  	vm10 =	vnez.u8 v4;
	v4 =	vld [tilespmem:$0x1FFA0];
	_ =	sdelay $0x3  }
0x5a: {  	v2 =	vsel vm9, $0x6, v2  }
0x5b: {  	v2 =	vsel vm12, v3, v2;
	v3 =	vsel vm12, $0x6, v3;
	vm12 =	vnez.u8 v4;
	v4 =	vld [tilespmem:$0x1FFB0]  }
0x5c: {  	v5 =	vld [tilespmem:$0x1FFC0];
	_ =	sdelay $0x2  }
0x5d: {  	v2 =	vsel vm10, $0x7, v2  }
0x5e: {  	v2 =	vsel vm14, v3, v2;
	v3 =	vsel vm14, $0x7, v3;
	vm14 =	vnez.u8 v4;
	v4 =	vpop (erf)  }
0x5f: {  	vm9 =	vnez.u8 v5;
	v5 =	vadd.f32 $1.000000000e+00, v4;
	_ =	sdelay $0x1  }
0x60: {  	(erf) = vrcp.f32 v5;
	v5 =	vld [tilespmem:$0x1FFE0]  }
0x61: {  	v6 =	vld [tilespmem:$0x1FFD0];
	v2 =	vsel vm12, $0x8, v2  }
0x62: {  	v2 =	vsel vm6, v3, v2  }
0x63: {  	v3 =	vsel vm6, $0x8, v3;
	v2 =	vsel vm14, $0x9, v2  }
0x64: {  	v2 =	vsel vm5, v3, v2  }
0x65: {  	v3 =	vsel vm5, $0x9, v3;
	v2 =	vsel vm9, $0xA, v2;
	vm12 =	vnez.u8 v5;
	v5 =	vld [tilespmem:$0x1FFF0]  }
0x66: {  	vm10 =	vnez.u8 v6;
	v2 =	vsel vm4, v3, v2  }
0x67: {  	v3 =	vsel vm4, $0xA, v3;
	v2 =	vsel vm10, $0xB, v2  }
0x68: {  	v2 =	vsel vm3, v3, v2  }
0x69: {  	v3 =	vsel vm3, $0xB, v3;
	v2 =	vsel vm12, $0xC, v2  }
0x6a: {  	v2 =	vsel vm2, v3, v2;
	vm14 =	vnez.u8 v5  }
0x6b: {  	v3 =	vsel vm2, $0xC, v3;
	v2 =	vsel vm14, $0xD, v2  }
0x6c: {  	v2 =	vsel vm1, v3, v2  }
0x6d: {  	v3 =	vsel vm1, $0xD, v3;
	v2 =	vsel vm15, $0xE, v2  }
0x6e: {  	s16 =	simm.s32 $0x10;
	v2 =	vsel vm11, v3, v2  }
0x6f: {  	v5 =	vmov s16;
	v2 =	vsel vm13, $0xF, v2  }
0x70: {  	v6 =	vshll.u32 v5, $0x7  }
0x71: {  	v9 =	vor.u32 v0, v6;
	v3 =	vsel vm11, $0xE, v3  }
0x72: {  	v17 =	vor.u32 $0x1, v9;
	v5 =	vsel vm0, v3, v2;
	v2 =	vpop (erf)  }
0x73: {  	v16 =	vor.u32 $0x2, v9;
	v8 =	vsel vm0, $0xF, v3;
	v3 =	vmul.f32 v2, v4  }
0x74: {  	v15 =	vor.u32 $0x3, v9;
	v14 =	vor.u32 $0x4, v9;
	v13 =	vor.u32 $0x5, v9;
	[tilespmem:s10+$0x0] =	vst v2  }
0x75: {  	s23 =	simm.s32 $0x20;
	s17 =	simm.s32 $0x10410;
	s20 =	simm.s32 $0x10600;
	v12 =	vor.u32 $0x6, v9;
	v11 =	vor.u32 $0x7, v9;
	v7 =	vor.u32 $0x8, v9;
	[tilespmem:s12+$0x0] =	vst v3  }
0x76: {  	s19 =	simm.s32 $0x10000;
	s18 =	simm.s32 $0x10200;
	s16 =	simm.s32 $0x10610;
	v4 =	vor.u32 $0x9, v9;
	v2 =	vor.u32 $0xB, v9;
	v3 =	vor.u32 $0xA, v9;
	[tilespmem:s13+$0x0] =	vst v8  }
.LBB2_2:
0x77: {  	s19 =	sadd.s32 $0x10, s19;
	s18 =	sadd.s32 $0x10, s18  }
0x78: {  	v10 =	vor.u32 $0xC, v9;
	v8 =	vor.u32 $0xD, v9;
	v6 =	vor.u32 $0xE, v9;
	[tilespmem:s20+$0x0] =	vst v5;
	s22 =	smov.u32 s23;
	s21 =	sadd.s32 $0x10, s23;
	s20 =	smov.u32 s16  }
0x79: {  	p0 =	sne.s32 s23, $0x1F0;
	v5 =	vor.u32 $0xF, v9;
	v17 =	vld.idx.msk [tilespmem:v17+s2+$0x0], $0xffff  }
0x7a: {  	v9 =	vld.idx.msk [tilespmem:v9+s2+$0x0], $0xffff;
	_ =	sdelay $0x2  }
0x7b: {  	v16 =	vld.idx.msk [tilespmem:v16+s2+$0x0], $0xffff;
	_ =	sdelay $0x1  }
0x7c: {  	vm0 =	vlt.f32 v17, $-Inf;
	vm1 =	vgt.f32 v17, $-Inf  }
0x7d: {  	vm2 =	vgt.f32 v17, v9;
	vm0 =	vmor vm1, vm0;
	v15 =	vld.idx.msk [tilespmem:v15+s2+$0x0], $0xffff  }
0x7e: {  	vm1 =	vmneg vm2;
	v18 =	vnsel vm0, $0xFF800000, v17  }
0x7f: {  	v18 =	vsel vm1, v18, v9;
	vm0 =	vmand vm1, vm0;
	v9 =	vsel vm1, v9, v17  }
0x80: {  	v19 =	vsel vm2, $0x1, v1;
	v17 =	vsel vm0, $0x1, v1;
	vm0 =	vgt.f32 v16, v18;
	v14 =	vld.idx.msk [tilespmem:v14+s2+$0x0], $0xffff  }
0x81: {  	vm1 =	vgt.f32 v16, v9;
	v18 =	vsel vm0, v16, v18;
	v17 =	vsel vm0, $0x2, v17  }
0x82: {  	v18 =	vsel vm1, v9, v18;
	v17 =	vsel vm1, v19, v17;
	v9 =	vsel vm1, v16, v9  }
0x83: {  	v16 =	vsel vm1, $0x2, v19;
	vm0 =	vgt.f32 v15, v18;
	v13 =	vld.idx.msk [tilespmem:v13+s2+$0x0], $0xffff  }
0x84: {  	vm1 =	vgt.f32 v15, v9;
	v18 =	vsel vm0, v15, v18;
	v17 =	vsel vm0, $0x3, v17  }
0x85: {  	v18 =	vsel vm1, v9, v18;
	v17 =	vsel vm1, v16, v17  }
0x86: {  	v9 =	vsel vm1, v15, v9;
	vm0 =	vgt.f32 v14, v18;
	v12 =	vld.idx.msk [tilespmem:v12+s2+$0x0], $0xffff  }
0x87: {  	v15 =	vsel vm1, $0x3, v16;
	vm1 =	vgt.f32 v14, v9;
	v16 =	vsel vm0, v14, v18  }
0x88: {  	v17 =	vsel vm0, $0x4, v17;
	v18 =	vsel vm1, $0x4, v15;
	v16 =	vsel vm1, v9, v16  }
0x89: {  	v15 =	vsel vm1, v15, v17;
	v9 =	vsel vm1, v14, v9;
	vm0 =	vgt.f32 v13, v16;
	v11 =	vld.idx.msk [tilespmem:v11+s2+$0x0], $0xffff  }
0x8a: {  	vm1 =	vgt.f32 v13, v9;
	v14 =	vsel vm0, v13, v16;
	v15 =	vsel vm0, $0x5, v15  }
0x8b: {  	v14 =	vsel vm1, v9, v14;
	v15 =	vsel vm1, v18, v15;
	v9 =	vsel vm1, v13, v9  }
0x8c: {  	v13 =	vsel vm1, $0x5, v18;
	vm0 =	vgt.f32 v12, v14;
	v7 =	vld.idx.msk [tilespmem:v7+s2+$0x0], $0xffff  }
0x8d: {  	vm1 =	vgt.f32 v12, v9;
	v14 =	vsel vm0, v12, v14;
	v15 =	vsel vm0, $0x6, v15  }
0x8e: {  	v14 =	vsel vm1, v9, v14;
	v15 =	vsel vm1, v13, v15;
	v13 =	vsel vm1, $0x6, v13  }
0x8f: {  	v9 =	vsel vm1, v12, v9;
	vm0 =	vgt.f32 v11, v14;
	v4 =	vld.idx.msk [tilespmem:v4+s2+$0x0], $0xffff  }
0x90: {  	vm1 =	vgt.f32 v11, v9;
	v12 =	vsel vm0, v11, v14;
	v14 =	vsel vm0, $0x7, v15  }
0x91: {  	v12 =	vsel vm1, v9, v12;
	v14 =	vsel vm1, v13, v14;
	v13 =	vsel vm1, $0x7, v13  }
0x92: {  	v9 =	vsel vm1, v11, v9;
	vm0 =	vgt.f32 v7, v12;
	v3 =	vld.idx.msk [tilespmem:v3+s2+$0x0], $0xffff  }
0x93: {  	vm1 =	vgt.f32 v7, v9;
	v11 =	vsel vm0, v7, v12;
	v12 =	vsel vm0, $0x8, v14  }
0x94: {  	v11 =	vsel vm1, v9, v11;
	v12 =	vsel vm1, v13, v12  }
0x95: {  	v7 =	vsel vm1, v7, v9;
	v9 =	vsel vm1, $0x8, v13;
	vm0 =	vgt.f32 v4, v11;
	v2 =	vld.idx.msk [tilespmem:v2+s2+$0x0], $0xffff  }
0x96: {  	vm1 =	vgt.f32 v4, v7;
	v11 =	vsel vm0, v4, v11;
	v12 =	vsel vm0, $0x9, v12  }
0x97: {  	v11 =	vsel vm1, v7, v11;
	v12 =	vsel vm1, v9, v12  }
0x98: {  	v4 =	vsel vm1, v4, v7;
	v7 =	vsel vm1, $0x9, v9;
	vm0 =	vgt.f32 v3, v11;
	v9 =	vld.idx.msk [tilespmem:v10+s2+$0x0], $0xffff  }
0x99: {  	vm1 =	vgt.f32 v3, v4;
	v10 =	vsel vm0, v3, v11;
	v11 =	vsel vm0, $0xA, v12  }
0x9a: {  	v3 =	vsel vm1, v3, v4;
	v10 =	vsel vm1, v4, v10;
	v11 =	vsel vm1, v7, v11  }
0x9b: {  	v4 =	vsel vm1, $0xA, v7;
	vm0 =	vgt.f32 v2, v10;
	v7 =	vld.idx.msk [tilespmem:v8+s2+$0x0], $0xffff  }
0x9c: {  	vm1 =	vgt.f32 v2, v3;
	v8 =	vsel vm0, v2, v10;
	v10 =	vsel vm0, $0xB, v11  }
0x9d: {  	v8 =	vsel vm1, v3, v8;
	v10 =	vsel vm1, v4, v10  }
0x9e: {  	v2 =	vsel vm1, v2, v3;
	vm0 =	vgt.f32 v9, v8;
	v3 =	vld.idx.msk [tilespmem:v6+s2+$0x0], $0xffff  }
0x9f: {  	v4 =	vsel vm1, $0xB, v4;
	vm1 =	vgt.f32 v9, v2;
	v6 =	vsel vm0, v9, v8  }
0xa0: {  	v8 =	vsel vm0, $0xC, v10;
	v10 =	vsel vm1, $0xC, v4;
	v6 =	vsel vm1, v2, v6  }
0xa1: {  	v4 =	vsel vm1, v4, v8;
	v2 =	vsel vm1, v9, v2;
	vm0 =	vgt.f32 v7, v6;
	v8 =	vld.idx.msk [tilespmem:v5+s2+$0x0], $0xffff  }
0xa2: {  	vm1 =	vgt.f32 v7, v2;
	v5 =	vsel vm0, v7, v6;
	v4 =	vsel vm0, $0xD, v4  }
0xa3: {  	v5 =	vsel vm1, v2, v5;
	v4 =	vsel vm1, v10, v4  }
0xa4: {  	v6 =	vsel vm1, $0xD, v10;
	v2 =	vsel vm1, v7, v2;
	vm0 =	vgt.f32 v3, v5  }
0xa5: {  	vm1 =	vgt.f32 v3, v2;
	v5 =	vsel vm0, v3, v5;
	v4 =	vsel vm0, $0xE, v4  }
0xa6: {  	v5 =	vsel vm1, v2, v5;
	v4 =	vsel vm1, v6, v4;
	v2 =	vsel vm1, v3, v2  }
0xa7: {  	v3 =	vsel vm1, $0xE, v6;
	vm0 =	vgt.f32 v8, v5  }
0xa8: {  	vm1 =	vgt.f32 v8, v2;
	v5 =	vsel vm0, v8, v5;
	v4 =	vsel vm0, $0xF, v4  }
0xa9: {  	v6 =	vsel vm1, v2, v5;
	v5 =	vsel vm1, v3, v4;
	v2 =	vsel vm1, v8, v2  }
0xaa: {  	v8 =	vsel vm1, $0xF, v3;
	v2 =	vsub.f32 v6, v2;
	_ =	sdelay $0x1  }
0xab: {  	v2 =	vmul.f32 $1.442695020e+00, v2;
	_ =	sdelay $0x1  }
0xac: {  	(erf) = vpow2.f32 v2;
	_ =	sdelay $0x8  }
0xad: {  	v2 =	vpop (erf)  }
0xae: {  	v3 =	vadd.f32 $1.000000000e+00, v2;
	_ =	sdelay $0x1  }
0xaf: {  	(erf) = vrcp.f32 v3;
	_ =	sdelay $0x6  }
0xb0: {  	v6 =	vmov s22  }
0xb1: {  	v4 =	vshll.u32 v6, $0x7  }
.Ltmp0:
0xb2: {  	v9 =	vor.u32 v0, v4;
	v3 =	vpop (erf);
	(pc) =	sbr.rel @p0 .LBB2_2-.Ltmp0, $4  }
0xb3: {  	v17 =	vor.u32 $0x1, v9;
	v16 =	vor.u32 $0x2, v9;
	v2 =	vmul.f32 v3, v2  }
0xb4: {  	v15 =	vor.u32 $0x3, v9;
	v14 =	vor.u32 $0x4, v9;
	v13 =	vor.u32 $0x5, v9;
	[tilespmem:s19+$0x0] =	vst v3  }
0xb5: {  	v12 =	vor.u32 $0x6, v9;
	v11 =	vor.u32 $0x7, v9;
	v7 =	vor.u32 $0x8, v9;
	[tilespmem:s18+$0x0] =	vst v2  }
0xb6: {  	s16 =	sadd.s32 $0x10, s16;
	s23 =	smov.u32 s21;
	v4 =	vor.u32 $0x9, v9;
	v3 =	vor.u32 $0xA, v9;
	v2 =	vor.u32 $0xB, v9;
	[tilespmem:s17+$0x0] =	vst v8;
	s17 =	sadd.s32 $0x10, s17  }
0xb7: {  	_ =	sdelay $0x2  }
0xb8: {  	[tilespmem:s20+$0x0] =	vst v5  }
0xb9: {  	v5 =	vld.idx.msk [tilespmem:v17+s2+$0x0], $0xffff  }
0xba: {  	v6 =	vld.idx.msk [tilespmem:v9+s2+$0x0], $0xffff;
	_ =	sdelay $0x3  }
0xbb: {  	v8 =	vld.idx.msk [tilespmem:v16+s2+$0x0], $0xffff  }
0xbc: {  	vm0 =	vlt.f32 v5, $-Inf;
	vm1 =	vgt.f32 v5, $-Inf;
	vm2 =	vgt.f32 v5, v6  }
0xbd: {  	v59 =	vimm.s32 $0x0;
	vm0 =	vmor vm1, vm0;
	vm10 =	vmneg vm2  }
0xbe: {  	v58 =	vld.idx.msk [tilespmem:v15+s2+$0x0], $0xffff;
	v15 =	vsel vm10, $0xFFFFFFFF, v59;
	v60 =	vnsel vm0, $0xFF800000, v5  }
0xbf: {  	[tilespmem:$0x1FE20] =	vst v15;
	v15 =	vsel vm10, v60, v6  }
0xc0: {  	v5 =	vsel vm10, v6, v5;
	vm11 =	vgt.f32 v8, v15  }
0xc1: {  	v62 =	vld.idx.msk [tilespmem:v14+s2+$0x0], $0xffff;
	vm14 =	vgt.f32 v8, v5;
	v63 =	vsel vm11, v8, v15  }
0xc2: {  	v14 =	vsel vm14, v5, v63  }
0xc3: {  	v61 =	vimm.s32 $0x0;
	v5 =	vsel vm14, v8, v5;
	vm4 =	vgt.f32 v58, v14  }
0xc4: {  	v17 =	vld.idx.msk [tilespmem:v13+s2+$0x0], $0xffff;
	v6 =	vsel vm11, $0xFFFFFFFF, v61;
	vm11 =	vgt.f32 v58, v5;
	v18 =	vsel vm4, v58, v14  }
0xc5: {  	v13 =	vsel vm11, v5, v18  }
0xc6: {  	v5 =	vsel vm11, v58, v5;
	vm5 =	vgt.f32 v62, v13  }
0xc7: {  	v20 =	vld.idx.msk [tilespmem:v12+s2+$0x0], $0xffff;
	vm9 =	vgt.f32 v62, v5;
	v21 =	vsel vm5, v62, v13  }
0xc8: {  	v10 =	vimm.s32 $0x0;
	v57 =	vimm.s32 $0x0;
	v12 =	vsel vm9, v5, v21  }
0xc9: {  	v19 =	vimm.s32 $0x0;
	v5 =	vsel vm9, v62, v5;
	vm6 =	vgt.f32 v17, v12  }
0xca: {  	v22 =	vimm.s32 $0x0;
	v23 =	vld.idx.msk [tilespmem:v11+s2+$0x0], $0xffff;
	vm10 =	vgt.f32 v17, v5;
	v24 =	vsel vm6, v17, v12  }
0xcb: {  	v25 =	vimm.s32 $0x0;
	v16 =	vimm.s32 $0x0;
	v11 =	vsel vm10, v5, v24  }
0xcc: {  	v8 =	vsel vm4, $0xFFFFFFFF, v16;
	v5 =	vsel vm10, v17, v5;
	vm7 =	vgt.f32 v20, v11  }
0xcd: {  	v7 =	vld.idx.msk [tilespmem:v7+s2+$0x0], $0xffff;
	[tilespmem:$0x1FE60] =	vst v8;
	vm12 =	vgt.f32 v20, v5;
	v8 =	vsel vm7, $0xFFFFFFFF, v25;
	v26 =	vsel vm7, v20, v11  }
0xce: {  	v27 =	vimm.s32 $0x0;
	v10 =	vsel vm2, $0xFFFFFFFF, v10;
	[tilespmem:$0x1FE90] =	vst v8;
	v8 =	vsel vm12, v5, v26  }
0xcf: {  	[tilespmem:$0x1FE40] =	vst v10;
	v10 =	vsel vm0, $0xFFFFFFFF, v57;
	v5 =	vsel vm12, v20, v5;
	vm8 =	vgt.f32 v23, v8  }
0xd0: {  	v28 =	vimm.s32 $0x0;
	v4 =	vld.idx.msk [tilespmem:v4+s2+$0x0], $0xffff;
	[tilespmem:$0x1FE30] =	vst v10;
	vm13 =	vgt.f32 v23, v5;
	v8 =	vsel vm8, v23, v8  }
0xd1: {  	[tilespmem:$0x1FE50] =	vst v6;
	v10 =	vsel vm5, $0xFFFFFFFF, v19;
	v6 =	vsel vm6, $0xFFFFFFFF, v22;
	v8 =	vsel vm13, v5, v8  }
0xd2: {  	[tilespmem:$0x1FE70] =	vst v10;
	v10 =	vsel vm8, $0xFFFFFFFF, v27;
	v5 =	vsel vm13, v23, v5;
	vm4 =	vgt.f32 v7, v8  }
0xd3: {  	v3 =	vld.idx.msk [tilespmem:v3+s2+$0x0], $0xffff;
	[tilespmem:$0x1FE80] =	vst v6;
	vm8 =	vgt.f32 v7, v5;
	v6 =	vsel vm4, $0xFFFFFFFF, v28;
	v29 =	vsel vm4, v7, v8  }
0xd4: {  	v30 =	vor.u32 $0xC, v9;
	[tilespmem:$0x1FEB0] =	vst v6;
	v6 =	vsel vm8, v5, v29  }
0xd5: {  	v5 =	vsel vm8, v7, v5;
	vm5 =	vgt.f32 v4, v6  }
0xd6: {  	v2 =	vld.idx.msk [tilespmem:v2+s2+$0x0], $0xffff;
	vm7 =	vgt.f32 v4, v5;
	v6 =	vsel vm5, v4, v6  }
0xd7: {  	v32 =	vor.u32 $0xD, v9;
	v6 =	vsel vm7, v5, v6  }
0xd8: {  	v33 =	vimm.s32 $0x0;
	v4 =	vsel vm7, v4, v5;
	vm6 =	vgt.f32 v3, v6  }
0xd9: {  	v34 =	vld.idx.msk [tilespmem:v30+s2+$0x0], $0xffff;
	v5 =	vsel vm6, $0xFFFFFFFF, v33;
	v6 =	vsel vm6, v3, v6;
	vm6 =	vgt.f32 v3, v4  }
0xda: {  	v31 =	vimm.s32 $0x0;
	v6 =	vsel vm6, v4, v6  }
0xdb: {  	v35 =	vor.u32 $0xE, v9;
	v3 =	vsel vm6, v3, v4;
	vm15 =	vgt.f32 v2, v6  }
0xdc: {  	v7 =	vsel vm5, $0xFFFFFFFF, v31;
	vm5 =	vgt.f32 v2, v3;
	v6 =	vsel vm15, v2, v6  }
0xdd: {  	v38 =	vor.u32 $0xF, v9;
	v37 =	vld.idx.msk [tilespmem:v32+s2+$0x0], $0xffff;
	v6 =	vsel vm5, v3, v6  }
0xde: {  	v2 =	vsel vm5, v2, v3;
	v3 =	vimm.s32 $0x0;
	vm4 =	vgt.f32 v34, v6  }
0xdf: {  	v3 =	vsel vm4, $0xFFFFFFFF, v3  }
0xe0: {  	v6 =	vsel vm4, v34, v6;
	vm4 =	vgt.f32 v34, v2;
	[tilespmem:$0x1FEF0] =	vst v3;
	v3 =	vld.idx.msk [tilespmem:v35+s2+$0x0], $0xffff  }
0xe1: {  	v36 =	vimm.s32 $0x0;
	v6 =	vsel vm4, v2, v6  }
0xe2: {  	v4 =	vsel vm15, $0xFFFFFFFF, v36;
	v2 =	vsel vm4, v34, v2;
	vm15 =	vgt.f32 v37, v6  }
0xe3: {  	v40 =	vld.idx.msk [tilespmem:v38+s2+$0x0], $0xffff;
	vm1 =	vgt.f32 v37, v2;
	v6 =	vsel vm15, v37, v6  }
0xe4: {  	v39 =	vimm.s32 $0x0;
	v41 =	vimm.s32 $0x0;
	v6 =	vsel vm1, v2, v6  }
0xe5: {  	v43 =	vld [tilespmem:$0x1FE20];
	[tilespmem:$0x1FED0] =	vst v5;
	v5 =	vsel vm15, $0xFFFFFFFF, v39;
	v2 =	vsel vm1, v37, v2;
	vm15 =	vgt.f32 v3, v6  }
0xe6: {  	v44 =	vld [tilespmem:$0x1FE30];
	[tilespmem:$0x1FEE0] =	vst v4;
	vm2 =	vgt.f32 v3, v2;
	v4 =	vsel vm15, $0xFFFFFFFF, v41;
	v42 =	vsel vm15, v3, v6  }
0xe7: {  	v45 =	vld [tilespmem:$0x1FE40];
	[tilespmem:$0x1FF10] =	vst v4;
	v4 =	vsel vm2, v2, v42  }
0xe8: {  	v46 =	vld [tilespmem:$0x1FE50];
	v2 =	vsel vm2, v3, v2;
	v3 =	vimm.s32 $0x0;
	vm15 =	vgt.f32 v40, v4  }
0xe9: {  	v3 =	vsel vm15, $0xFFFFFFFF, v3  }
0xea: {  	vm0 =	vnez.u8 v43;
	v47 =	vld [tilespmem:$0x1FE60];
	vm3 =	vgt.f32 v40, v2;
	[tilespmem:$0x1FF20] =	vst v3;
	v3 =	vsel vm15, v40, v4  }
0xeb: {  	vm15 =	vnez.u8 v44;
	v3 =	vsel vm3, v2, v3;
	v2 =	vsel vm3, v40, v2  }
0xec: {  	v48 =	vld [tilespmem:$0x1FE70];
	vm0 =	vmand vm0, vm15;
	vm15 =	vnez.u8 v45;
	v2 =	vsub.f32 v3, v2  }
0xed: {  	v3 =	vsel vm0, $0x1, v1;
	v4 =	vsel vm15, $0x1, v1;
	vm15 =	vnez.u8 v46  }
0xee: {  	v49 =	vld [tilespmem:$0x1FE80];
	v3 =	vsel vm15, $0x2, v3;
	v2 =	vmul.f32 $1.442695020e+00, v2  }
0xef: {  	v3 =	vsel vm14, v4, v3;
	v4 =	vsel vm14, $0x2, v4;
	vm14 =	vnez.u8 v47  }
0xf0: {  	v50 =	vld [tilespmem:$0x1FE90];
	v3 =	vsel vm14, $0x3, v3;
	(erf) = vpow2.f32 v2  }
0xf1: {  	[tilespmem:$0x1FEA0] =	vst v10;
	vm15 =	vnez.u8 v48;
	v2 =	vsel vm11, v4, v3  }
0xf2: {  	v51 =	vld [tilespmem:$0x1FEA0];
	v3 =	vsel vm11, $0x3, v4;
	v2 =	vsel vm15, $0x4, v2  }
0xf3: {  	v2 =	vsel vm9, v3, v2;
	v3 =	vsel vm9, $0x4, v3;
	vm9 =	vnez.u8 v49  }
0xf4: {  	v53 =	vld [tilespmem:$0x1FEB0];
	v2 =	vsel vm9, $0x5, v2  }
0xf5: {  	[tilespmem:$0x1FEC0] =	vst v7;
	vm11 =	vnez.u8 v50;
	v2 =	vsel vm10, v3, v2  }
0xf6: {  	v55 =	vld [tilespmem:$0x1FEC0];
	v3 =	vsel vm10, $0x5, v3;
	v2 =	vsel vm11, $0x6, v2  }
0xf7: {  	vm14 =	vnez.u8 v51;
	v2 =	vsel vm12, v3, v2  }
0xf8: {  	v56 =	vld [tilespmem:$0x1FED0];
	v3 =	vsel vm12, $0x6, v3;
	v2 =	vsel vm14, $0x7, v2  }
0xf9: {  	vm15 =	vnez.u8 v53;
	v2 =	vsel vm13, v3, v2;
	v52 =	vpop (erf)  }
0xfa: {  	v57 =	vld [tilespmem:$0x1FEE0];
	v3 =	vsel vm13, $0x7, v3;
	v2 =	vsel vm15, $0x8, v2;
	v54 =	vadd.f32 $1.000000000e+00, v52  }
0xfb: {  	vm9 =	vnez.u8 v55;
	v2 =	vsel vm8, v3, v2  }
0xfc: {  	v58 =	vld [tilespmem:$0x1FEF0];
	v3 =	vsel vm8, $0x8, v3;
	v2 =	vsel vm9, $0x9, v2;
	(erf) = vrcp.f32 v54  }
0xfd: {  	[tilespmem:$0x1FF00] =	vst v5;
	vm10 =	vnez.u8 v56;
	v2 =	vsel vm7, v3, v2  }
0xfe: {  	v59 =	vld [tilespmem:$0x1FF00];
	v3 =	vsel vm7, $0x9, v3;
	v2 =	vsel vm10, $0xA, v2  }
0xff: {  	vm11 =	vnez.u8 v57;
	v2 =	vsel vm6, v3, v2  }
0x100: {  	v61 =	vld [tilespmem:$0x1FF10];
	v3 =	vsel vm6, $0xA, v3;
	v2 =	vsel vm11, $0xB, v2  }
0x101: {  	vm12 =	vnez.u8 v58;
	v2 =	vsel vm5, v3, v2  }
0x102: {  	v62 =	vld [tilespmem:$0x1FF20];
	v3 =	vsel vm5, $0xB, v3;
	v2 =	vsel vm12, $0xC, v2  }
0x103: {  	vm13 =	vnez.u8 v59;
	v2 =	vsel vm4, v3, v2  }
0x104: {  	v3 =	vsel vm4, $0xC, v3;
	v2 =	vsel vm13, $0xD, v2  }
0x105: {  	vm14 =	vnez.u8 v61;
	v2 =	vsel vm1, v3, v2;
	v60 =	vpop (erf)  }
0x106: {  	s19 =	sadd.s32 $0x10, s19;
	v3 =	vsel vm1, $0xD, v3;
	v2 =	vsel vm14, $0xE, v2;
	v4 =	vmul.f32 v60, v52  }
0x107: {  	s18 =	sadd.s32 $0x10, s18;
	vm15 =	vnez.u8 v62;
	v2 =	vsel vm2, v3, v2;
	v3 =	vsel vm2, $0xE, v3;
	[tilespmem:s19+$0x0] =	vst v60  }
0x108: {  	v2 =	vsel vm15, $0xF, v2;
	v63 =	vsel vm3, $0xF, v3;
	[tilespmem:s18+$0x0] =	vst v4  }
0x109: {  	v2 =	vsel vm3, v3, v2;
	[tilespmem:s17+$0x0] =	vst v63  }
0x10a: {  	[tilespmem:s16+$0x0] =	vst v2  }
0x10b: {  	[hbm4b:s4+s2] =	stream.linear.scatter [tilespmem:s10], [sflag:$0x2], $0x200, $0x38;
	[tilespmem:$0x10800] =	vst v63  }
0x10c: {  	_ =	swait.ge [sflag:s11], $0x200  }
0x10d: {  	[sflag:s11] =	ssyncset.done $0x0  }
0x10e: {  	[sflag:s11] =	ssyncadd.s32 $0xFFFFFE00  }
0x10f: {  	[hbm4b:s5+s2] =	stream.linear.scatter [tilespmem:s12], [sflag:$0x2], $0x200, $0x38;
	[tilespmem:$0x10800] =	vst v63  }
0x110: {  	_ =	swait.ge [sflag:s11], $0x200  }
0x111: {  	[sflag:s11] =	ssyncset.done $0x0  }
0x112: {  	[sflag:s11] =	ssyncadd.s32 $0xFFFFFE00  }
0x113: {  	[hbm4b:s6+s2] =	stream.linear.scatter [tilespmem:s13], [sflag:$0x2], $0x200, $0x38;
	[tilespmem:$0x10800] =	vst v63  }
0x114: {  	s15 =	sadd.s32 $0x1, s15;
	_ =	swait.ge [sflag:s11], $0x200  }
0x115: {  	p0 =	sne.s32 s15, s8;
	[sflag:s11] =	ssyncset.done $0x0  }
.Ltmp1:
0x116: {  	[sflag:s11] =	ssyncadd.s32 $0xFFFFFE00;
	(pc) =	sbr.rel @p0 .LBB2_1-.Ltmp1, $4  }
0x117: {  	[hbm4b:s7+s2] =	stream.linear.scatter [tilespmem:s14], [sflag:$0x2], $0x200, $0x38;
	[tilespmem:$0x10800] =	vst v63  }
0x118: {  	_ =	swait.ge [sflag:s11], $0x200  }
0x119: {  	[sflag:s11] =	ssyncset.done $0x0  }
0x11a: {  	[sflag:s11] =	ssyncadd.s32 $0xFFFFFE00  }
0x11b: {  	_ =	sfence.sel $0x180000  }
0x11c: {  	[bflag:$0x0] =	sbarrier.arrive $0xFFFF  }
0x11d: {  	p0 =	sne.s32 s1, $0x0;
	_ =	strace $0x90000047  }
0x11e: {  	s0 =	sadd.s32 @!p0 $0x100000, s0;
	[bflag:$0x2] =	sbarrier.arrive $0xFFFF  }
0x11f: {  	[sflag:s0] =	ssyncadd.tile.s32 @!p0 $0x1;
	_ =	shalt  }
.Lfunc_end2:
_tile_overlayer_lowered:
.L_overlay_start_2:
0x120: {  	(tag) =	ssettag $0x2  }
0x121: {  	s0 =	rddreg [dreg:$0x0];
	s2 =	stileid.u32  }
0x122: {  	s1 =	rddreg [dreg:$0x1];
	p0 =	sne.s32 s2, $0x0  }
0x123: {  	s3 =	rddreg [dreg:$0x2];
	[bflag:$0x3] =	sbarrier.arrive $0xFFFF;
	s2 =	simm.s32 @!p0 $0x1C02  }
0x124: {  	[timem:s3], [sflag:s2] =	dma.local @!p0 [hbm:s0], s1  }
0x125: {  	s0 =	simm.s32 @!p0 $0x2  }
0x126: {  	_ =	swait.ge @!p0 [sflag:s0], s1  }
0x127: {  	s1 =	ssub.s32 @!p0 $0x0, s1;
	[sflag:s0] =	ssyncset.done @!p0 $0x0  }
0x128: {  	[sflag:s0] =	ssyncadd.s32 @!p0 s1  }
0x129: {  	[bflag:$0x3] =	sbarrier.arrive $0xFFFF  }
0x12a: {  	_ =	shalt  }

</sc_bundles>
